<compile_context>
chip_gen: v7x
topology: tpu7x:2x2x1
jax: 0.10.2.dev20260603
libtpu: 0.0.44.dev20260713+nightly
codegen_flags: <defaults>
</compile_context>

<pallas_src>
import functools

import jax
import jax.numpy as jnp
from jax import lax
from jax.experimental import pallas as pl
from jax.experimental.pallas import tpu as pltpu
from jax.experimental.pallas import tpu_sc as plsc

N = 10000
E = 320000
D = 128

NCC = 2
NS = 16
NW = NCC * NS

NPAD = 10112
TRASH = 10000
STRIPE = NPAD // NS

K = 80
NCH = 125
NBUF = 2
EPW = K * NCH

RB = 1264



def _sc_deg_body(dst_hbm, deg_out, didx, deg):
    cid = lax.axis_index("c")
    sid = lax.axis_index("s")
    wid = cid * NS + sid
    pltpu.sync_copy(dst_hbm.at[wid], didx)

    def zero(i, _):
        deg[pl.ds(i * 16, 16)] = jnp.zeros((16,), jnp.float32)
        return _

    lax.fori_loop(0, NPAD // 16, zero, None)

    def acc(i, _):
        idx = didx[pl.ds(i * 16, 16)]
        plsc.addupdate_scatter(deg, [idx], jnp.ones((16,), jnp.float32))
        return _

    lax.fori_loop(0, EPW // 16, acc, None)
    pltpu.sync_copy(deg, deg_out.at[wid])


_sc_deg = pl.kernel(
    _sc_deg_body,
    out_type=jax.ShapeDtypeStruct((NW, NPAD), jnp.float32),
    mesh=plsc.VectorSubcoreMesh(core_axis_name="c", subcore_axis_name="s",
                                num_cores=NCC, num_subcores=NS),
    scratch_types=[
        pltpu.VMEM((EPW,), jnp.int32),
        pltpu.VMEM((NPAD,), jnp.float32),
    ],
    compiler_params=pltpu.CompilerParams(needs_layout_passes=False),
)


def _sc_scatter_body(hs, src1, dst3, zrows, out, sidx, didx, rows,
                     accum, gsem, ssem):
    cid = lax.axis_index("c")
    sid = lax.axis_index("s")
    wid = cid * NS + sid

    pltpu.sync_copy(src1.at[wid], sidx)
    pltpu.sync_copy(dst3.at[wid], didx)

    pltpu.sync_copy(zrows, accum.at[pl.ds(sid * STRIPE, STRIPE)])
    plsc.subcore_barrier()

    for b in range(NBUF):
        pltpu.async_copy(hs.at[sidx.at[pl.ds(b * K, K)]], rows.at[b],
                         gsem.at[b])

    def grp(g, _):
        for b in range(NBUF):
            j = g * NBUF + b
            pltpu.make_async_copy(hs.at[sidx.at[pl.ds(j * K, K)]],
                                  rows.at[b], gsem.at[b]).wait()
            pltpu.async_copy(rows.at[b], accum.at[didx.at[j]], ssem.at[b],
                             add=True)
        for b in range(NBUF):
            j = g * NBUF + b
            pltpu.make_async_copy(rows.at[b], accum.at[didx.at[j]],
                                  ssem.at[b]).wait()
            nj = j + NBUF

            @pl.when(nj < NCH)
            def _issue():
                pltpu.async_copy(hs.at[sidx.at[pl.ds(nj * K, K)]],
                                 rows.at[b], gsem.at[b])

        return _

    lax.fori_loop(0, NCH // NBUF, grp, None)
    for j in range(NCH - NCH % NBUF, NCH):
        b = j % NBUF
        pltpu.make_async_copy(hs.at[sidx.at[pl.ds(j * K, K)]],
                              rows.at[b], gsem.at[b]).wait()
        pltpu.async_copy(rows.at[b], accum.at[didx.at[j]], ssem.at[b],
                         add=True)
        pltpu.make_async_copy(rows.at[b], accum.at[didx.at[j]],
                              ssem.at[b]).wait()
    plsc.subcore_barrier()

    pltpu.sync_copy(accum.at[pl.ds(sid * STRIPE, STRIPE)],
                    out.at[cid, pl.ds(sid * STRIPE, STRIPE)])


_sc_scatter = pl.kernel(
    _sc_scatter_body,
    out_type=jax.ShapeDtypeStruct((NCC, NPAD, D), jnp.float32),
    mesh=plsc.VectorSubcoreMesh(core_axis_name="c", subcore_axis_name="s",
                                num_cores=NCC, num_subcores=NS),
    scratch_types=[
        pltpu.VMEM((EPW,), jnp.int32),
        pltpu.VMEM((NCH, K), jnp.int32),
        pltpu.VMEM((NBUF, K, D), jnp.float32),
        pltpu.VMEM_SHARED((NPAD, D), jnp.float32),
        pltpu.SemaphoreType.DMA((NBUF,)),
        pltpu.SemaphoreType.DMA((NBUF,)),
    ],
    compiler_params=pltpu.CompilerParams(needs_layout_passes=False),
)



def _tc_mmdvhs_body(x_ref, degT_ref, w_ref, dv_ref, hs_ref):
    s = jnp.sum(degT_ref[...], axis=1, keepdims=True) + 1.0
    dv = lax.rsqrt(s)
    dv_ref[...] = dv
    hs_ref[...] = jnp.dot(x_ref[...], w_ref[...],
                          preferred_element_type=jnp.float32) * dv


def _tc_fuse1_body(a_ref, b_ref, hs_ref, dv_ref, b1_ref, w2_ref, o_ref):
    z = (a_ref[0] + b_ref[0] + hs_ref[...]) * dv_ref[...] + b1_ref[...]
    z = jnp.maximum(z, 0.0)
    o_ref[...] = jnp.dot(z, w2_ref[...],
                         preferred_element_type=jnp.float32) * dv_ref[...]


def _tc_fuse2_body(a_ref, b_ref, hs_ref, dv_ref, b2_ref, o_ref):
    o_ref[...] = (a_ref[0] + b_ref[0] + hs_ref[...]) * dv_ref[...] + b2_ref[...]


_GRID = NPAD // RB


def _row_spec(w):
    return pl.BlockSpec((RB, w), lambda i: (i, 0))


def _full_spec(h, w):
    return pl.BlockSpec((h, w), lambda i: (0, 0))


def _part_spec(c):
    return pl.BlockSpec((1, RB, D), lambda i, c=c: (c, i, 0))


_tc_mmdvhs = pl.pallas_call(
    _tc_mmdvhs_body,
    grid=(_GRID,),
    in_specs=[_row_spec(D), _row_spec(NW), _full_spec(D, D)],
    out_specs=(_row_spec(1), _row_spec(D)),
    out_shape=(jax.ShapeDtypeStruct((NPAD, 1), jnp.float32),
               jax.ShapeDtypeStruct((NPAD, D), jnp.float32)),
)

_tc_fuse1 = pl.pallas_call(
    _tc_fuse1_body,
    grid=(_GRID,),
    in_specs=[_part_spec(0), _part_spec(1), _row_spec(D), _row_spec(1),
              _full_spec(1, D), _full_spec(D, D)],
    out_specs=_row_spec(D),
    out_shape=jax.ShapeDtypeStruct((NPAD, D), jnp.float32),
)

RB2 = 2000


def _p2_spec(c):
    return pl.BlockSpec((1, RB2, D), lambda i, c=c: (c, i, 0))


_tc_fuse2 = pl.pallas_call(
    _tc_fuse2_body,
    grid=(N // RB2,),
    in_specs=[_p2_spec(0), _p2_spec(1),
              pl.BlockSpec((RB2, D), lambda i: (i, 0)),
              pl.BlockSpec((RB2, 1), lambda i: (i, 0)),
              _full_spec(1, D)],
    out_specs=pl.BlockSpec((RB2, D), lambda i: (i, 0)),
    out_shape=jax.ShapeDtypeStruct((N, D), jnp.float32),
)



@jax.jit
def kernel(x, edge_index, W1, b1, W2, b2):
    ei = edge_index.astype(jnp.int32)
    dst3 = ei[1].reshape(NW, NCH, K)
    dst1 = ei[1].reshape(NW, EPW)

    deg_parts = _sc_deg(dst1)

    src1 = ei[0].reshape(NW, EPW)

    xp = jnp.zeros((NPAD, D), jnp.float32).at[:N].set(x)
    zrows = jnp.zeros((STRIPE, D), jnp.float32)

    dv, hs1 = _tc_mmdvhs(xp, deg_parts.T, W1)

    p1 = _sc_scatter(hs1, src1, dst3, zrows)
    hs2 = _tc_fuse1(p1, p1, hs1, dv, b1.reshape(1, D), W2)
    p2 = _sc_scatter(hs2, src1, dst3, zrows)
    out = _tc_fuse2(p2, p2, hs2, dv, b2.reshape(1, D))
    return out

# --- scband reference (transcript-rebuilt; emitter-appended) ---
"""Pipeline reference for scband-gcn-14740327760488 (READ-ONLY COPY).

The authoritative reference and input builder live on the scoring server;
editing this copy changes nothing except your own understanding.
"""

import jax, jax.numpy as jnp
import numpy as np

N_NODES = 10000
N_EDGES = 320000
D_IN = 128
D_HID = 128
D_OUT = 128


def setup_inputs(seed: int = 0) -> dict:
    key = jax.random.key(seed)
    k1, k2, k3, k4, k5, k6 = jax.random.split(key, 6)
    x = jax.random.normal(k1, (N_NODES, D_IN), dtype=jnp.float32)
    edge_index = jax.random.randint(k2, (2, N_EDGES), 0, N_NODES, dtype=jnp.int64)
    # Glorot init like PyG GCNConv
    s1 = jnp.sqrt(6.0 / (D_IN + D_HID))
    W1 = jax.random.uniform(k3, (D_IN, D_HID), minval=-s1, maxval=s1, dtype=jnp.float32)
    b1 = jnp.zeros((D_HID,), dtype=jnp.float32)
    s2 = jnp.sqrt(6.0 / (D_HID + D_OUT))
    W2 = jax.random.uniform(k4, (D_HID, D_OUT), minval=-s2, maxval=s2, dtype=jnp.float32)
    b2 = jnp.zeros((D_OUT,), dtype=jnp.float32)
    return {"x": x, "edge_index": edge_index, "W1": W1, "b1": b1, "W2": W2, "b2": b2}


def _gcn_conv(x, src, dst, W, b, num_nodes):
    # add self-loops
    loop = jnp.arange(num_nodes, dtype=src.dtype)
    src_f = jnp.concatenate([src, loop])
    dst_f = jnp.concatenate([dst, loop])
    # symmetric normalization D^{-1/2} (A+I) D^{-1/2}
    deg = jnp.zeros((num_nodes,), dtype=x.dtype).at[dst_f].add(1.0)
    dinv = jnp.where(deg > 0, jax.lax.rsqrt(deg), 0.0)
    norm = dinv[src_f] * dinv[dst_f]
    h = x @ W
    msg = h[src_f] * norm[:, None]
    out = jnp.zeros((num_nodes, W.shape[1]), dtype=x.dtype).at[dst_f].add(msg)
    return out + b


def reference(x, edge_index, W1, b1, W2, b2):
    src = edge_index[0]
    dst = edge_index[1]
    h = _gcn_conv(x, src, dst, W1, b1, N_NODES)
    h = jax.nn.relu(h)
    out = _gcn_conv(h, src, dst, W2, b2, N_NODES)
    return out

if __name__ == "__main__":
    import jax
    _d = setup_inputs()
    print(jax.jit(kernel)(*tuple(_d.values())))

</pallas_src>

<mosaic_0001>
#map = affine_map<(d0, d1) -> (0, 0)>
#map1 = affine_map<(d0, d1) -> (0, 0, 0)>
module attributes {stable_mosaic.version = 14 : i64} {
  func.func @_sc_scatter_body(%arg0: i32, %arg1: i32, %arg2: memref<10112x128xf32, #tpu.memory_space<hbm>>, %arg3: memref<32x10000xi32, #tpu.memory_space<hbm>>, %arg4: memref<32x125x80xi32, #tpu.memory_space<hbm>>, %arg5: memref<632x128xf32, #tpu.memory_space<hbm>>, %arg6: memref<2x10112x128xf32, #tpu.memory_space<hbm>>, %arg7: memref<10000xi32, #tpu.memory_space<vmem>>, %arg8: memref<125x80xi32, #tpu.memory_space<vmem>>, %arg9: memref<2x80x128xf32, #tpu.memory_space<vmem>>, %arg10: memref<10112x128xf32, #tpu.memory_space<vmem_shared>>, %arg11: memref<2x!tpu.dma_semaphore, #tpu.memory_space<semaphore_mem>>, %arg12: memref<2x!tpu.dma_semaphore, #tpu.memory_space<semaphore_mem>>) attributes {dimension_semantics = [#tpu.dimension_semantics<core_parallel>, #tpu.dimension_semantics<subcore_parallel>], iteration_bounds = array<i64: 2, 16>, scalar_prefetch = 0 : i64, scratch_operands = 6 : i64, tpu.core_type = #tpu.core_type<sc_vector_subcore>, window_params = [{transform_indices = #map}, {transform_indices = #map}, {transform_indices = #map1}, {transform_indices = #map}, {transform_indices = #map1}]} {
    %mul3A = arith.constant 16 : i32
    %mul3A_0 = arith.muli %arg0, %mul3A : i32
    %add3A = arith.addi %mul3A_0, %arg1 : i32
    "tpu.region"() ({
      %run_scoped3A = tpu.sem_alloc : memref<!tpu.dma_semaphore, #tpu.memory_space<semaphore_mem>>
      %dma_start3A_79 = arith.constant 0 : i32
      %dma_start3A_80 = tpu.memref_slice %arg3[%add3A, %dma_start3A_79] : memref<32x10000xi32, #tpu.memory_space<hbm>> -> memref<1x10000xi32, #tpu.memory_space<hbm>>
      %dma_start3A_81 = tpu.memref_squeeze %dma_start3A_80 : memref<1x10000xi32, #tpu.memory_space<hbm>> -> memref<10000xi32, #tpu.memory_space<hbm>>
      %dma_start3A_82 = arith.constant 0 : i32
      %dma_start3A_83 = tpu.memref_slice %arg3[%add3A, %dma_start3A_82] : memref<32x10000xi32, #tpu.memory_space<hbm>> -> memref<1x10000xi32, #tpu.memory_space<hbm>>
      %dma_start3A_84 = tpu.memref_squeeze %dma_start3A_83 : memref<1x10000xi32, #tpu.memory_space<hbm>> -> memref<10000xi32, #tpu.memory_space<hbm>>
      tpu.enqueue_dma source(%dma_start3A_84 : memref<10000xi32, #tpu.memory_space<hbm>>) target(%arg7 : memref<10000xi32, #tpu.memory_space<vmem>>) target_semaphore(%run_scoped3A : memref<!tpu.dma_semaphore, #tpu.memory_space<semaphore_mem>>)
      %dma_wait3A_85 = arith.constant 0 : i32
      %dma_wait3A_86 = tpu.memref_slice %arg3[%add3A, %dma_wait3A_85] : memref<32x10000xi32, #tpu.memory_space<hbm>> -> memref<1x10000xi32, #tpu.memory_space<hbm>>
      %dma_wait3A_87 = tpu.memref_squeeze %dma_wait3A_86 : memref<1x10000xi32, #tpu.memory_space<hbm>> -> memref<10000xi32, #tpu.memory_space<hbm>>
      %dma_wait3A_88 = arith.constant 0 : i32
      %dma_wait3A_89 = tpu.memref_slice %arg3[%add3A, %dma_wait3A_88] : memref<32x10000xi32, #tpu.memory_space<hbm>> -> memref<1x10000xi32, #tpu.memory_space<hbm>>
      %dma_wait3A_90 = tpu.memref_squeeze %dma_wait3A_89 : memref<1x10000xi32, #tpu.memory_space<hbm>> -> memref<10000xi32, #tpu.memory_space<hbm>>
      tpu.wait_dma2 semaphore(%run_scoped3A : memref<!tpu.dma_semaphore, #tpu.memory_space<semaphore_mem>>) src(%dma_wait3A_90 : memref<10000xi32, #tpu.memory_space<hbm>>) dst(%arg7 : memref<10000xi32, #tpu.memory_space<vmem>>)
      tpu.yield
    }) : () -> ()
    "tpu.region"() ({
      %run_scoped3A = tpu.sem_alloc : memref<!tpu.dma_semaphore, #tpu.memory_space<semaphore_mem>>
      %dma_start3A_79 = arith.constant 0 : i32
      %dma_start3A_80 = arith.constant 0 : i32
      %dma_start3A_81 = tpu.memref_slice %arg4[%add3A, %dma_start3A_79, %dma_start3A_80] : memref<32x125x80xi32, #tpu.memory_space<hbm>> -> memref<1x125x80xi32, #tpu.memory_space<hbm>>
      %dma_start3A_82 = tpu.memref_squeeze %dma_start3A_81 : memref<1x125x80xi32, #tpu.memory_space<hbm>> -> memref<125x80xi32, #tpu.memory_space<hbm>>
      %dma_start3A_83 = arith.constant 0 : i32
      %dma_start3A_84 = arith.constant 0 : i32
      %dma_start3A_85 = tpu.memref_slice %arg4[%add3A, %dma_start3A_83, %dma_start3A_84] : memref<32x125x80xi32, #tpu.memory_space<hbm>> -> memref<1x125x80xi32, #tpu.memory_space<hbm>>
      %dma_start3A_86 = tpu.memref_squeeze %dma_start3A_85 : memref<1x125x80xi32, #tpu.memory_space<hbm>> -> memref<125x80xi32, #tpu.memory_space<hbm>>
      tpu.enqueue_dma source(%dma_start3A_86 : memref<125x80xi32, #tpu.memory_space<hbm>>) target(%arg8 : memref<125x80xi32, #tpu.memory_space<vmem>>) target_semaphore(%run_scoped3A : memref<!tpu.dma_semaphore, #tpu.memory_space<semaphore_mem>>)
      %dma_wait3A_87 = arith.constant 0 : i32
      %dma_wait3A_88 = arith.constant 0 : i32
      %dma_wait3A_89 = tpu.memref_slice %arg4[%add3A, %dma_wait3A_87, %dma_wait3A_88] : memref<32x125x80xi32, #tpu.memory_space<hbm>> -> memref<1x125x80xi32, #tpu.memory_space<hbm>>
      %dma_wait3A_90 = tpu.memref_squeeze %dma_wait3A_89 : memref<1x125x80xi32, #tpu.memory_space<hbm>> -> memref<125x80xi32, #tpu.memory_space<hbm>>
      %dma_wait3A_91 = arith.constant 0 : i32
      %dma_wait3A_92 = arith.constant 0 : i32
      %dma_wait3A_93 = tpu.memref_slice %arg4[%add3A, %dma_wait3A_91, %dma_wait3A_92] : memref<32x125x80xi32, #tpu.memory_space<hbm>> -> memref<1x125x80xi32, #tpu.memory_space<hbm>>
      %dma_wait3A_94 = tpu.memref_squeeze %dma_wait3A_93 : memref<1x125x80xi32, #tpu.memory_space<hbm>> -> memref<125x80xi32, #tpu.memory_space<hbm>>
      tpu.wait_dma2 semaphore(%run_scoped3A : memref<!tpu.dma_semaphore, #tpu.memory_space<semaphore_mem>>) src(%dma_wait3A_94 : memref<125x80xi32, #tpu.memory_space<hbm>>) dst(%arg8 : memref<125x80xi32, #tpu.memory_space<vmem>>)
      tpu.yield
    }) : () -> ()
    %mul3A_1 = arith.constant 632 : i32
    %mul3A_2 = arith.muli %arg1, %mul3A_1 : i32
    "tpu.region"() ({
      %run_scoped3A = tpu.sem_alloc : memref<!tpu.dma_semaphore, #tpu.memory_space<semaphore_mem>>
      %dma_start3A_79 = arith.constant 0 : i32
      %dma_start3A_80 = tpu.memref_slice %arg10[%mul3A_2, %dma_start3A_79] : memref<10112x128xf32, #tpu.memory_space<vmem_shared>> -> memref<632x128xf32, #tpu.memory_space<vmem_shared>>
      tpu.enqueue_dma source(%arg5 : memref<632x128xf32, #tpu.memory_space<hbm>>) target(%dma_start3A_80 : memref<632x128xf32, #tpu.memory_space<vmem_shared>>) target_semaphore(%run_scoped3A : memref<!tpu.dma_semaphore, #tpu.memory_space<semaphore_mem>>)
      %dma_wait3A_81 = arith.constant 0 : i32
      %dma_wait3A_82 = tpu.memref_slice %arg10[%mul3A_2, %dma_wait3A_81] : memref<10112x128xf32, #tpu.memory_space<vmem_shared>> -> memref<632x128xf32, #tpu.memory_space<vmem_shared>>
      tpu.wait_dma2 semaphore(%run_scoped3A : memref<!tpu.dma_semaphore, #tpu.memory_space<semaphore_mem>>) src(%arg5 : memref<632x128xf32, #tpu.memory_space<hbm>>) dst(%dma_wait3A_82 : memref<632x128xf32, #tpu.memory_space<vmem_shared>>)
      tpu.yield
    }) : () -> ()
    %barrier3A = arith.constant 0 : index
    tpu.barrier barrier_id(%barrier3A)
    %dma_start3A = arith.constant 0 : i32
    %dma_start3A_3 = arith.constant 0 : i32
    %dma_start3A_4 = arith.constant 0 : i32
    %dma_start3A_5 = arith.constant 0 : i32
    %dma_start3A_6 = tpu.memref_slice %arg9[%dma_start3A, %dma_start3A_4, %dma_start3A_5] : memref<2x80x128xf32, #tpu.memory_space<vmem>> -> memref<1x80x128xf32, #tpu.memory_space<vmem>>
    %dma_start3A_7 = tpu.memref_squeeze %dma_start3A_6 : memref<1x80x128xf32, #tpu.memory_space<vmem>> -> memref<80x128xf32, #tpu.memory_space<vmem>>
    %dma_start3A_8 = arith.constant 0 : i32
    %dma_start3A_9 = tpu.memref_slice %arg7[%dma_start3A_8] : memref<10000xi32, #tpu.memory_space<vmem>> -> memref<80xi32, #tpu.memory_space<vmem>>
    %dma_start3A_10 = arith.constant 0 : i32
    %dma_start3A_11 = arith.constant 0 : i32
    %dma_start3A_12 = tpu.memref_slice %arg2[%dma_start3A_10, %dma_start3A_11] : memref<10112x128xf32, #tpu.memory_space<hbm>> -> memref<10112x128xf32, #tpu.memory_space<hbm>>
    %dma_start3A_13 = tpu.memref_slice %arg11[%dma_start3A_3] : memref<2x!tpu.dma_semaphore, #tpu.memory_space<semaphore_mem>> -> memref<1x!tpu.dma_semaphore, #tpu.memory_space<semaphore_mem>>
    %dma_start3A_14 = tpu.memref_squeeze %dma_start3A_13 : memref<1x!tpu.dma_semaphore, #tpu.memory_space<semaphore_mem>> -> memref<!tpu.dma_semaphore, #tpu.memory_space<semaphore_mem>>
    tpu.enqueue_indirect_dma source(%dma_start3A_12 : memref<10112x128xf32, #tpu.memory_space<hbm>>) target(%dma_start3A_7 : memref<80x128xf32, #tpu.memory_space<vmem>>) offsets(%dma_start3A_9 : memref<80xi32, #tpu.memory_space<vmem>>) semaphore(%dma_start3A_14 : memref<!tpu.dma_semaphore, #tpu.memory_space<semaphore_mem>>)
    %dma_start3A_15 = arith.constant 1 : i32
    %dma_start3A_16 = arith.constant 1 : i32
    %dma_start3A_17 = arith.constant 0 : i32
    %dma_start3A_18 = arith.constant 0 : i32
    %dma_start3A_19 = tpu.memref_slice %arg9[%dma_start3A_15, %dma_start3A_17, %dma_start3A_18] : memref<2x80x128xf32, #tpu.memory_space<vmem>> -> memref<1x80x128xf32, #tpu.memory_space<vmem>>
    %dma_start3A_20 = tpu.memref_squeeze %dma_start3A_19 : memref<1x80x128xf32, #tpu.memory_space<vmem>> -> memref<80x128xf32, #tpu.memory_space<vmem>>
    %dma_start3A_21 = arith.constant 80 : i32
    %dma_start3A_22 = tpu.memref_slice %arg7[%dma_start3A_21] : memref<10000xi32, #tpu.memory_space<vmem>> -> memref<80xi32, #tpu.memory_space<vmem>>
    %dma_start3A_23 = arith.constant 0 : i32
    %dma_start3A_24 = arith.constant 0 : i32
    %dma_start3A_25 = tpu.memref_slice %arg2[%dma_start3A_23, %dma_start3A_24] : memref<10112x128xf32, #tpu.memory_space<hbm>> -> memref<10112x128xf32, #tpu.memory_space<hbm>>
    %dma_start3A_26 = tpu.memref_slice %arg11[%dma_start3A_16] : memref<2x!tpu.dma_semaphore, #tpu.memory_space<semaphore_mem>> -> memref<1x!tpu.dma_semaphore, #tpu.memory_space<semaphore_mem>>
    %dma_start3A_27 = tpu.memref_squeeze %dma_start3A_26 : memref<1x!tpu.dma_semaphore, #tpu.memory_space<semaphore_mem>> -> memref<!tpu.dma_semaphore, #tpu.memory_space<semaphore_mem>>
    tpu.enqueue_indirect_dma source(%dma_start3A_25 : memref<10112x128xf32, #tpu.memory_space<hbm>>) target(%dma_start3A_20 : memref<80x128xf32, #tpu.memory_space<vmem>>) offsets(%dma_start3A_22 : memref<80xi32, #tpu.memory_space<vmem>>) semaphore(%dma_start3A_27 : memref<!tpu.dma_semaphore, #tpu.memory_space<semaphore_mem>>)
    %scan3A = arith.constant 0 : i32
    %scan3A_28 = arith.constant 62 : i32
    %scan3A_29 = arith.addi %scan3A, %scan3A_28 : i32
    %scan3A_30 = arith.constant 1 : i32
    scf.for %scan3A_79 = %scan3A to %scan3A_29 step %scan3A_30  : i32 {
      %mul3A_80 = arith.constant 2 : i32
      %mul3A_81 = arith.muli %scan3A_79, %mul3A_80 : i32
      %add3A_82 = arith.constant 0 : i32
      %add3A_83 = arith.addi %mul3A_81, %add3A_82 : i32
      %mul3A_84 = arith.constant 80 : i32
      %mul3A_85 = arith.muli %add3A_83, %mul3A_84 : i32
      %dma_wait3A_86 = arith.constant 0 : i32
      %dma_wait3A_87 = arith.constant 0 : i32
      %dma_wait3A_88 = arith.constant 0 : i32
      %dma_wait3A_89 = arith.constant 0 : i32
      %dma_wait3A_90 = tpu.memref_slice %arg9[%dma_wait3A_86, %dma_wait3A_88, %dma_wait3A_89] : memref<2x80x128xf32, #tpu.memory_space<vmem>> -> memref<1x80x128xf32, #tpu.memory_space<vmem>>
      %dma_wait3A_91 = tpu.memref_squeeze %dma_wait3A_90 : memref<1x80x128xf32, #tpu.memory_space<vmem>> -> memref<80x128xf32, #tpu.memory_space<vmem>>
      %dma_wait3A_92 = tpu.memref_slice %arg7[%mul3A_85] : memref<10000xi32, #tpu.memory_space<vmem>> -> memref<80xi32, #tpu.memory_space<vmem>>
      %dma_wait3A_93 = arith.constant 0 : i32
      %dma_wait3A_94 = arith.constant 0 : i32
      %dma_wait3A_95 = tpu.memref_slice %arg2[%dma_wait3A_93, %dma_wait3A_94] : memref<10112x128xf32, #tpu.memory_space<hbm>> -> memref<10112x128xf32, #tpu.memory_space<hbm>>
      %dma_wait3A_96 = tpu.memref_slice %arg11[%dma_wait3A_87] : memref<2x!tpu.dma_semaphore, #tpu.memory_space<semaphore_mem>> -> memref<1x!tpu.dma_semaphore, #tpu.memory_space<semaphore_mem>>
      %dma_wait3A_97 = tpu.memref_squeeze %dma_wait3A_96 : memref<1x!tpu.dma_semaphore, #tpu.memory_space<semaphore_mem>> -> memref<!tpu.dma_semaphore, #tpu.memory_space<semaphore_mem>>
      tpu.wait_indirect_dma semaphore(%dma_wait3A_97 : memref<!tpu.dma_semaphore, #tpu.memory_space<semaphore_mem>>) src(%dma_wait3A_95 : memref<10112x128xf32, #tpu.memory_space<hbm>>) dst(%dma_wait3A_91 : memref<80x128xf32, #tpu.memory_space<vmem>>)
      %dma_start3A_98 = arith.constant 0 : i32
      %dma_start3A_99 = arith.constant 0 : i32
      %dma_start3A_100 = arith.constant 0 : i32
      %dma_start3A_101 = arith.constant 0 : i32
      %dma_start3A_102 = tpu.memref_slice %arg9[%dma_start3A_98, %dma_start3A_100, %dma_start3A_101] : memref<2x80x128xf32, #tpu.memory_space<vmem>> -> memref<1x80x128xf32, #tpu.memory_space<vmem>>
      %dma_start3A_103 = tpu.memref_squeeze %dma_start3A_102 : memref<1x80x128xf32, #tpu.memory_space<vmem>> -> memref<80x128xf32, #tpu.memory_space<vmem>>
      %dma_start3A_104 = arith.constant 0 : i32
      %dma_start3A_105 = tpu.memref_slice %arg8[%add3A_83, %dma_start3A_104] : memref<125x80xi32, #tpu.memory_space<vmem>> -> memref<1x80xi32, #tpu.memory_space<vmem>>
      %dma_start3A_106 = tpu.memref_squeeze %dma_start3A_105 : memref<1x80xi32, #tpu.memory_space<vmem>> -> memref<80xi32, #tpu.memory_space<vmem>>
      %dma_start3A_107 = arith.constant 0 : i32
      %dma_start3A_108 = arith.constant 0 : i32
      %dma_start3A_109 = tpu.memref_slice %arg10[%dma_start3A_107, %dma_start3A_108] : memref<10112x128xf32, #tpu.memory_space<vmem_shared>> -> memref<10112x128xf32, #tpu.memory_space<vmem_shared>>
      %dma_start3A_110 = tpu.memref_slice %arg12[%dma_start3A_99] : memref<2x!tpu.dma_semaphore, #tpu.memory_space<semaphore_mem>> -> memref<1x!tpu.dma_semaphore, #tpu.memory_space<semaphore_mem>>
      %dma_start3A_111 = tpu.memref_squeeze %dma_start3A_110 : memref<1x!tpu.dma_semaphore, #tpu.memory_space<semaphore_mem>> -> memref<!tpu.dma_semaphore, #tpu.memory_space<semaphore_mem>>
      tpu.enqueue_indirect_dma source(%dma_start3A_103 : memref<80x128xf32, #tpu.memory_space<vmem>>) target(%dma_start3A_109 : memref<10112x128xf32, #tpu.memory_space<vmem_shared>>) offsets(%dma_start3A_106 : memref<80xi32, #tpu.memory_space<vmem>>) semaphore(%dma_start3A_111 : memref<!tpu.dma_semaphore, #tpu.memory_space<semaphore_mem>>) {add = true}
      %mul3A_112 = arith.constant 2 : i32
      %mul3A_113 = arith.muli %scan3A_79, %mul3A_112 : i32
      %add3A_114 = arith.constant 1 : i32
      %add3A_115 = arith.addi %mul3A_113, %add3A_114 : i32
      %mul3A_116 = arith.constant 80 : i32
      %mul3A_117 = arith.muli %add3A_115, %mul3A_116 : i32
      %dma_wait3A_118 = arith.constant 1 : i32
      %dma_wait3A_119 = arith.constant 1 : i32
      %dma_wait3A_120 = arith.constant 0 : i32
      %dma_wait3A_121 = arith.constant 0 : i32
      %dma_wait3A_122 = tpu.memref_slice %arg9[%dma_wait3A_118, %dma_wait3A_120, %dma_wait3A_121] : memref<2x80x128xf32, #tpu.memory_space<vmem>> -> memref<1x80x128xf32, #tpu.memory_space<vmem>>
      %dma_wait3A_123 = tpu.memref_squeeze %dma_wait3A_122 : memref<1x80x128xf32, #tpu.memory_space<vmem>> -> memref<80x128xf32, #tpu.memory_space<vmem>>
      %dma_wait3A_124 = tpu.memref_slice %arg7[%mul3A_117] : memref<10000xi32, #tpu.memory_space<vmem>> -> memref<80xi32, #tpu.memory_space<vmem>>
      %dma_wait3A_125 = arith.constant 0 : i32
      %dma_wait3A_126 = arith.constant 0 : i32
      %dma_wait3A_127 = tpu.memref_slice %arg2[%dma_wait3A_125, %dma_wait3A_126] : memref<10112x128xf32, #tpu.memory_space<hbm>> -> memref<10112x128xf32, #tpu.memory_space<hbm>>
      %dma_wait3A_128 = tpu.memref_slice %arg11[%dma_wait3A_119] : memref<2x!tpu.dma_semaphore, #tpu.memory_space<semaphore_mem>> -> memref<1x!tpu.dma_semaphore, #tpu.memory_space<semaphore_mem>>
      %dma_wait3A_129 = tpu.memref_squeeze %dma_wait3A_128 : memref<1x!tpu.dma_semaphore, #tpu.memory_space<semaphore_mem>> -> memref<!tpu.dma_semaphore, #tpu.memory_space<semaphore_mem>>
      tpu.wait_indirect_dma semaphore(%dma_wait3A_129 : memref<!tpu.dma_semaphore, #tpu.memory_space<semaphore_mem>>) src(%dma_wait3A_127 : memref<10112x128xf32, #tpu.memory_space<hbm>>) dst(%dma_wait3A_123 : memref<80x128xf32, #tpu.memory_space<vmem>>)
      %dma_start3A_130 = arith.constant 1 : i32
      %dma_start3A_131 = arith.constant 1 : i32
      %dma_start3A_132 = arith.constant 0 : i32
      %dma_start3A_133 = arith.constant 0 : i32
      %dma_start3A_134 = tpu.memref_slice %arg9[%dma_start3A_130, %dma_start3A_132, %dma_start3A_133] : memref<2x80x128xf32, #tpu.memory_space<vmem>> -> memref<1x80x128xf32, #tpu.memory_space<vmem>>
      %dma_start3A_135 = tpu.memref_squeeze %dma_start3A_134 : memref<1x80x128xf32, #tpu.memory_space<vmem>> -> memref<80x128xf32, #tpu.memory_space<vmem>>
      %dma_start3A_136 = arith.constant 0 : i32
      %dma_start3A_137 = tpu.memref_slice %arg8[%add3A_115, %dma_start3A_136] : memref<125x80xi32, #tpu.memory_space<vmem>> -> memref<1x80xi32, #tpu.memory_space<vmem>>
      %dma_start3A_138 = tpu.memref_squeeze %dma_start3A_137 : memref<1x80xi32, #tpu.memory_space<vmem>> -> memref<80xi32, #tpu.memory_space<vmem>>
      %dma_start3A_139 = arith.constant 0 : i32
      %dma_start3A_140 = arith.constant 0 : i32
      %dma_start3A_141 = tpu.memref_slice %arg10[%dma_start3A_139, %dma_start3A_140] : memref<10112x128xf32, #tpu.memory_space<vmem_shared>> -> memref<10112x128xf32, #tpu.memory_space<vmem_shared>>
      %dma_start3A_142 = tpu.memref_slice %arg12[%dma_start3A_131] : memref<2x!tpu.dma_semaphore, #tpu.memory_space<semaphore_mem>> -> memref<1x!tpu.dma_semaphore, #tpu.memory_space<semaphore_mem>>
      %dma_start3A_143 = tpu.memref_squeeze %dma_start3A_142 : memref<1x!tpu.dma_semaphore, #tpu.memory_space<semaphore_mem>> -> memref<!tpu.dma_semaphore, #tpu.memory_space<semaphore_mem>>
      tpu.enqueue_indirect_dma source(%dma_start3A_135 : memref<80x128xf32, #tpu.memory_space<vmem>>) target(%dma_start3A_141 : memref<10112x128xf32, #tpu.memory_space<vmem_shared>>) offsets(%dma_start3A_138 : memref<80xi32, #tpu.memory_space<vmem>>) semaphore(%dma_start3A_143 : memref<!tpu.dma_semaphore, #tpu.memory_space<semaphore_mem>>) {add = true}
      %mul3A_144 = arith.constant 2 : i32
      %mul3A_145 = arith.muli %scan3A_79, %mul3A_144 : i32
      %add3A_146 = arith.constant 0 : i32
      %add3A_147 = arith.addi %mul3A_145, %add3A_146 : i32
      %dma_wait3A_148 = arith.constant 0 : i32
      %dma_wait3A_149 = arith.constant 0 : i32
      %dma_wait3A_150 = arith.constant 0 : i32
      %dma_wait3A_151 = arith.constant 0 : i32
      %dma_wait3A_152 = tpu.memref_slice %arg9[%dma_wait3A_148, %dma_wait3A_150, %dma_wait3A_151] : memref<2x80x128xf32, #tpu.memory_space<vmem>> -> memref<1x80x128xf32, #tpu.memory_space<vmem>>
      %dma_wait3A_153 = tpu.memref_squeeze %dma_wait3A_152 : memref<1x80x128xf32, #tpu.memory_space<vmem>> -> memref<80x128xf32, #tpu.memory_space<vmem>>
      %dma_wait3A_154 = arith.constant 0 : i32
      %dma_wait3A_155 = tpu.memref_slice %arg8[%add3A_147, %dma_wait3A_154] : memref<125x80xi32, #tpu.memory_space<vmem>> -> memref<1x80xi32, #tpu.memory_space<vmem>>
      %dma_wait3A_156 = tpu.memref_squeeze %dma_wait3A_155 : memref<1x80xi32, #tpu.memory_space<vmem>> -> memref<80xi32, #tpu.memory_space<vmem>>
      %dma_wait3A_157 = arith.constant 0 : i32
      %dma_wait3A_158 = arith.constant 0 : i32
      %dma_wait3A_159 = tpu.memref_slice %arg10[%dma_wait3A_157, %dma_wait3A_158] : memref<10112x128xf32, #tpu.memory_space<vmem_shared>> -> memref<10112x128xf32, #tpu.memory_space<vmem_shared>>
      %dma_wait3A_160 = tpu.memref_slice %arg12[%dma_wait3A_149] : memref<2x!tpu.dma_semaphore, #tpu.memory_space<semaphore_mem>> -> memref<1x!tpu.dma_semaphore, #tpu.memory_space<semaphore_mem>>
      %dma_wait3A_161 = tpu.memref_squeeze %dma_wait3A_160 : memref<1x!tpu.dma_semaphore, #tpu.memory_space<semaphore_mem>> -> memref<!tpu.dma_semaphore, #tpu.memory_space<semaphore_mem>>
      tpu.wait_indirect_dma semaphore(%dma_wait3A_161 : memref<!tpu.dma_semaphore, #tpu.memory_space<semaphore_mem>>) src(%dma_wait3A_153 : memref<80x128xf32, #tpu.memory_space<vmem>>) dst(%dma_wait3A_159 : memref<10112x128xf32, #tpu.memory_space<vmem_shared>>)
      %add3A_162 = arith.constant 2 : i32
      %add3A_163 = arith.addi %add3A_147, %add3A_162 : i32
      %lt3A = arith.constant 125 : i32
      %lt3A_164 = arith.cmpi slt, %add3A_163, %lt3A : i32
      %convert_element_type3A = arith.extui %lt3A_164 : i1 to i32
      %cond3A = arith.constant 0 : i32
      %cond3A_165 = arith.cmpi ne, %convert_element_type3A, %cond3A : i32
      scf.if %cond3A_165 {
        %mul3A_191 = arith.constant 80 : i32
        %mul3A_192 = arith.muli %add3A_163, %mul3A_191 : i32
        %dma_start3A_193 = arith.constant 0 : i32
        %dma_start3A_194 = arith.constant 0 : i32
        %dma_start3A_195 = arith.constant 0 : i32
        %dma_start3A_196 = arith.constant 0 : i32
        %dma_start3A_197 = tpu.memref_slice %arg9[%dma_start3A_193, %dma_start3A_195, %dma_start3A_196] : memref<2x80x128xf32, #tpu.memory_space<vmem>> -> memref<1x80x128xf32, #tpu.memory_space<vmem>>
        %dma_start3A_198 = tpu.memref_squeeze %dma_start3A_197 : memref<1x80x128xf32, #tpu.memory_space<vmem>> -> memref<80x128xf32, #tpu.memory_space<vmem>>
        %dma_start3A_199 = tpu.memref_slice %arg7[%mul3A_192] : memref<10000xi32, #tpu.memory_space<vmem>> -> memref<80xi32, #tpu.memory_space<vmem>>
        %dma_start3A_200 = arith.constant 0 : i32
        %dma_start3A_201 = arith.constant 0 : i32
        %dma_start3A_202 = tpu.memref_slice %arg2[%dma_start3A_200, %dma_start3A_201] : memref<10112x128xf32, #tpu.memory_space<hbm>> -> memref<10112x128xf32, #tpu.memory_space<hbm>>
        %dma_start3A_203 = tpu.memref_slice %arg11[%dma_start3A_194] : memref<2x!tpu.dma_semaphore, #tpu.memory_space<semaphore_mem>> -> memref<1x!tpu.dma_semaphore, #tpu.memory_space<semaphore_mem>>
        %dma_start3A_204 = tpu.memref_squeeze %dma_start3A_203 : memref<1x!tpu.dma_semaphore, #tpu.memory_space<semaphore_mem>> -> memref<!tpu.dma_semaphore, #tpu.memory_space<semaphore_mem>>
        tpu.enqueue_indirect_dma source(%dma_start3A_202 : memref<10112x128xf32, #tpu.memory_space<hbm>>) target(%dma_start3A_198 : memref<80x128xf32, #tpu.memory_space<vmem>>) offsets(%dma_start3A_199 : memref<80xi32, #tpu.memory_space<vmem>>) semaphore(%dma_start3A_204 : memref<!tpu.dma_semaphore, #tpu.memory_space<semaphore_mem>>)
      } else {
      }
      %mul3A_166 = arith.constant 2 : i32
      %mul3A_167 = arith.muli %scan3A_79, %mul3A_166 : i32
      %add3A_168 = arith.constant 1 : i32
      %add3A_169 = arith.addi %mul3A_167, %add3A_168 : i32
      %dma_wait3A_170 = arith.constant 1 : i32
      %dma_wait3A_171 = arith.constant 1 : i32
      %dma_wait3A_172 = arith.constant 0 : i32
      %dma_wait3A_173 = arith.constant 0 : i32
      %dma_wait3A_174 = tpu.memref_slice %arg9[%dma_wait3A_170, %dma_wait3A_172, %dma_wait3A_173] : memref<2x80x128xf32, #tpu.memory_space<vmem>> -> memref<1x80x128xf32, #tpu.memory_space<vmem>>
      %dma_wait3A_175 = tpu.memref_squeeze %dma_wait3A_174 : memref<1x80x128xf32, #tpu.memory_space<vmem>> -> memref<80x128xf32, #tpu.memory_space<vmem>>
      %dma_wait3A_176 = arith.constant 0 : i32
      %dma_wait3A_177 = tpu.memref_slice %arg8[%add3A_169, %dma_wait3A_176] : memref<125x80xi32, #tpu.memory_space<vmem>> -> memref<1x80xi32, #tpu.memory_space<vmem>>
      %dma_wait3A_178 = tpu.memref_squeeze %dma_wait3A_177 : memref<1x80xi32, #tpu.memory_space<vmem>> -> memref<80xi32, #tpu.memory_space<vmem>>
      %dma_wait3A_179 = arith.constant 0 : i32
      %dma_wait3A_180 = arith.constant 0 : i32
      %dma_wait3A_181 = tpu.memref_slice %arg10[%dma_wait3A_179, %dma_wait3A_180] : memref<10112x128xf32, #tpu.memory_space<vmem_shared>> -> memref<10112x128xf32, #tpu.memory_space<vmem_shared>>
      %dma_wait3A_182 = tpu.memref_slice %arg12[%dma_wait3A_171] : memref<2x!tpu.dma_semaphore, #tpu.memory_space<semaphore_mem>> -> memref<1x!tpu.dma_semaphore, #tpu.memory_space<semaphore_mem>>
      %dma_wait3A_183 = tpu.memref_squeeze %dma_wait3A_182 : memref<1x!tpu.dma_semaphore, #tpu.memory_space<semaphore_mem>> -> memref<!tpu.dma_semaphore, #tpu.memory_space<semaphore_mem>>
      tpu.wait_indirect_dma semaphore(%dma_wait3A_183 : memref<!tpu.dma_semaphore, #tpu.memory_space<semaphore_mem>>) src(%dma_wait3A_175 : memref<80x128xf32, #tpu.memory_space<vmem>>) dst(%dma_wait3A_181 : memref<10112x128xf32, #tpu.memory_space<vmem_shared>>)
      %add3A_184 = arith.constant 2 : i32
      %add3A_185 = arith.addi %add3A_169, %add3A_184 : i32
      %lt3A_186 = arith.constant 125 : i32
      %lt3A_187 = arith.cmpi slt, %add3A_185, %lt3A_186 : i32
      %convert_element_type3A_188 = arith.extui %lt3A_187 : i1 to i32
      %cond3A_189 = arith.constant 0 : i32
      %cond3A_190 = arith.cmpi ne, %convert_element_type3A_188, %cond3A_189 : i32
      scf.if %cond3A_190 {
        %mul3A_191 = arith.constant 80 : i32
        %mul3A_192 = arith.muli %add3A_185, %mul3A_191 : i32
        %dma_start3A_193 = arith.constant 1 : i32
        %dma_start3A_194 = arith.constant 1 : i32
        %dma_start3A_195 = arith.constant 0 : i32
        %dma_start3A_196 = arith.constant 0 : i32
        %dma_start3A_197 = tpu.memref_slice %arg9[%dma_start3A_193, %dma_start3A_195, %dma_start3A_196] : memref<2x80x128xf32, #tpu.memory_space<vmem>> -> memref<1x80x128xf32, #tpu.memory_space<vmem>>
        %dma_start3A_198 = tpu.memref_squeeze %dma_start3A_197 : memref<1x80x128xf32, #tpu.memory_space<vmem>> -> memref<80x128xf32, #tpu.memory_space<vmem>>
        %dma_start3A_199 = tpu.memref_slice %arg7[%mul3A_192] : memref<10000xi32, #tpu.memory_space<vmem>> -> memref<80xi32, #tpu.memory_space<vmem>>
        %dma_start3A_200 = arith.constant 0 : i32
        %dma_start3A_201 = arith.constant 0 : i32
        %dma_start3A_202 = tpu.memref_slice %arg2[%dma_start3A_200, %dma_start3A_201] : memref<10112x128xf32, #tpu.memory_space<hbm>> -> memref<10112x128xf32, #tpu.memory_space<hbm>>
        %dma_start3A_203 = tpu.memref_slice %arg11[%dma_start3A_194] : memref<2x!tpu.dma_semaphore, #tpu.memory_space<semaphore_mem>> -> memref<1x!tpu.dma_semaphore, #tpu.memory_space<semaphore_mem>>
        %dma_start3A_204 = tpu.memref_squeeze %dma_start3A_203 : memref<1x!tpu.dma_semaphore, #tpu.memory_space<semaphore_mem>> -> memref<!tpu.dma_semaphore, #tpu.memory_space<semaphore_mem>>
        tpu.enqueue_indirect_dma source(%dma_start3A_202 : memref<10112x128xf32, #tpu.memory_space<hbm>>) target(%dma_start3A_198 : memref<80x128xf32, #tpu.memory_space<vmem>>) offsets(%dma_start3A_199 : memref<80xi32, #tpu.memory_space<vmem>>) semaphore(%dma_start3A_204 : memref<!tpu.dma_semaphore, #tpu.memory_space<semaphore_mem>>)
      } else {
      }
    }
    %scan3A_31 = arith.constant 62 : i32
    %dma_wait3A = arith.constant 0 : i32
    %dma_wait3A_32 = arith.constant 0 : i32
    %dma_wait3A_33 = arith.constant 0 : i32
    %dma_wait3A_34 = arith.constant 0 : i32
    %dma_wait3A_35 = tpu.memref_slice %arg9[%dma_wait3A, %dma_wait3A_33, %dma_wait3A_34] : memref<2x80x128xf32, #tpu.memory_space<vmem>> -> memref<1x80x128xf32, #tpu.memory_space<vmem>>
    %dma_wait3A_36 = tpu.memref_squeeze %dma_wait3A_35 : memref<1x80x128xf32, #tpu.memory_space<vmem>> -> memref<80x128xf32, #tpu.memory_space<vmem>>
    %dma_wait3A_37 = arith.constant 9920 : i32
    %dma_wait3A_38 = tpu.memref_slice %arg7[%dma_wait3A_37] : memref<10000xi32, #tpu.memory_space<vmem>> -> memref<80xi32, #tpu.memory_space<vmem>>
    %dma_wait3A_39 = arith.constant 0 : i32
    %dma_wait3A_40 = arith.constant 0 : i32
    %dma_wait3A_41 = tpu.memref_slice %arg2[%dma_wait3A_39, %dma_wait3A_40] : memref<10112x128xf32, #tpu.memory_space<hbm>> -> memref<10112x128xf32, #tpu.memory_space<hbm>>
    %dma_wait3A_42 = tpu.memref_slice %arg11[%dma_wait3A_32] : memref<2x!tpu.dma_semaphore, #tpu.memory_space<semaphore_mem>> -> memref<1x!tpu.dma_semaphore, #tpu.memory_space<semaphore_mem>>
    %dma_wait3A_43 = tpu.memref_squeeze %dma_wait3A_42 : memref<1x!tpu.dma_semaphore, #tpu.memory_space<semaphore_mem>> -> memref<!tpu.dma_semaphore, #tpu.memory_space<semaphore_mem>>
    tpu.wait_indirect_dma semaphore(%dma_wait3A_43 : memref<!tpu.dma_semaphore, #tpu.memory_space<semaphore_mem>>) src(%dma_wait3A_41 : memref<10112x128xf32, #tpu.memory_space<hbm>>) dst(%dma_wait3A_36 : memref<80x128xf32, #tpu.memory_space<vmem>>)
    %dma_start3A_44 = arith.constant 0 : i32
    %dma_start3A_45 = arith.constant 124 : i32
    %dma_start3A_46 = arith.constant 0 : i32
    %dma_start3A_47 = arith.constant 0 : i32
    %dma_start3A_48 = arith.constant 0 : i32
    %dma_start3A_49 = tpu.memref_slice %arg9[%dma_start3A_44, %dma_start3A_47, %dma_start3A_48] : memref<2x80x128xf32, #tpu.memory_space<vmem>> -> memref<1x80x128xf32, #tpu.memory_space<vmem>>
    %dma_start3A_50 = tpu.memref_squeeze %dma_start3A_49 : memref<1x80x128xf32, #tpu.memory_space<vmem>> -> memref<80x128xf32, #tpu.memory_space<vmem>>
    %dma_start3A_51 = arith.constant 0 : i32
    %dma_start3A_52 = tpu.memref_slice %arg8[%dma_start3A_45, %dma_start3A_51] : memref<125x80xi32, #tpu.memory_space<vmem>> -> memref<1x80xi32, #tpu.memory_space<vmem>>
    %dma_start3A_53 = tpu.memref_squeeze %dma_start3A_52 : memref<1x80xi32, #tpu.memory_space<vmem>> -> memref<80xi32, #tpu.memory_space<vmem>>
    %dma_start3A_54 = arith.constant 0 : i32
    %dma_start3A_55 = arith.constant 0 : i32
    %dma_start3A_56 = tpu.memref_slice %arg10[%dma_start3A_54, %dma_start3A_55] : memref<10112x128xf32, #tpu.memory_space<vmem_shared>> -> memref<10112x128xf32, #tpu.memory_space<vmem_shared>>
    %dma_start3A_57 = tpu.memref_slice %arg12[%dma_start3A_46] : memref<2x!tpu.dma_semaphore, #tpu.memory_space<semaphore_mem>> -> memref<1x!tpu.dma_semaphore, #tpu.memory_space<semaphore_mem>>
    %dma_start3A_58 = tpu.memref_squeeze %dma_start3A_57 : memref<1x!tpu.dma_semaphore, #tpu.memory_space<semaphore_mem>> -> memref<!tpu.dma_semaphore, #tpu.memory_space<semaphore_mem>>
    tpu.enqueue_indirect_dma source(%dma_start3A_50 : memref<80x128xf32, #tpu.memory_space<vmem>>) target(%dma_start3A_56 : memref<10112x128xf32, #tpu.memory_space<vmem_shared>>) offsets(%dma_start3A_53 : memref<80xi32, #tpu.memory_space<vmem>>) semaphore(%dma_start3A_58 : memref<!tpu.dma_semaphore, #tpu.memory_space<semaphore_mem>>) {add = true}
    %dma_wait3A_59 = arith.constant 0 : i32
    %dma_wait3A_60 = arith.constant 124 : i32
    %dma_wait3A_61 = arith.constant 0 : i32
    %dma_wait3A_62 = arith.constant 0 : i32
    %dma_wait3A_63 = arith.constant 0 : i32
    %dma_wait3A_64 = tpu.memref_slice %arg9[%dma_wait3A_59, %dma_wait3A_62, %dma_wait3A_63] : memref<2x80x128xf32, #tpu.memory_space<vmem>> -> memref<1x80x128xf32, #tpu.memory_space<vmem>>
    %dma_wait3A_65 = tpu.memref_squeeze %dma_wait3A_64 : memref<1x80x128xf32, #tpu.memory_space<vmem>> -> memref<80x128xf32, #tpu.memory_space<vmem>>
    %dma_wait3A_66 = arith.constant 0 : i32
    %dma_wait3A_67 = tpu.memref_slice %arg8[%dma_wait3A_60, %dma_wait3A_66] : memref<125x80xi32, #tpu.memory_space<vmem>> -> memref<1x80xi32, #tpu.memory_space<vmem>>
    %dma_wait3A_68 = tpu.memref_squeeze %dma_wait3A_67 : memref<1x80xi32, #tpu.memory_space<vmem>> -> memref<80xi32, #tpu.memory_space<vmem>>
    %dma_wait3A_69 = arith.constant 0 : i32
    %dma_wait3A_70 = arith.constant 0 : i32
    %dma_wait3A_71 = tpu.memref_slice %arg10[%dma_wait3A_69, %dma_wait3A_70] : memref<10112x128xf32, #tpu.memory_space<vmem_shared>> -> memref<10112x128xf32, #tpu.memory_space<vmem_shared>>
    %dma_wait3A_72 = tpu.memref_slice %arg12[%dma_wait3A_61] : memref<2x!tpu.dma_semaphore, #tpu.memory_space<semaphore_mem>> -> memref<1x!tpu.dma_semaphore, #tpu.memory_space<semaphore_mem>>
    %dma_wait3A_73 = tpu.memref_squeeze %dma_wait3A_72 : memref<1x!tpu.dma_semaphore, #tpu.memory_space<semaphore_mem>> -> memref<!tpu.dma_semaphore, #tpu.memory_space<semaphore_mem>>
    tpu.wait_indirect_dma semaphore(%dma_wait3A_73 : memref<!tpu.dma_semaphore, #tpu.memory_space<semaphore_mem>>) src(%dma_wait3A_65 : memref<80x128xf32, #tpu.memory_space<vmem>>) dst(%dma_wait3A_71 : memref<10112x128xf32, #tpu.memory_space<vmem_shared>>)
    %barrier3A_74 = arith.constant 0 : index
    tpu.barrier barrier_id(%barrier3A_74)
    %mul3A_75 = arith.constant 632 : i32
    %mul3A_76 = arith.muli %arg1, %mul3A_75 : i32
    %mul3A_77 = arith.constant 632 : i32
    %mul3A_78 = arith.muli %arg1, %mul3A_77 : i32
    "tpu.region"() ({
      %run_scoped3A = tpu.sem_alloc : memref<!tpu.dma_semaphore, #tpu.memory_space<semaphore_mem>>
      %dma_start3A_79 = arith.constant 0 : i32
      %dma_start3A_80 = tpu.memref_slice %arg6[%arg0, %mul3A_78, %dma_start3A_79] : memref<2x10112x128xf32, #tpu.memory_space<hbm>> -> memref<1x632x128xf32, #tpu.memory_space<hbm>>
      %dma_start3A_81 = tpu.memref_squeeze %dma_start3A_80 : memref<1x632x128xf32, #tpu.memory_space<hbm>> -> memref<632x128xf32, #tpu.memory_space<hbm>>
      %dma_start3A_82 = arith.constant 0 : i32
      %dma_start3A_83 = tpu.memref_slice %arg10[%mul3A_76, %dma_start3A_82] : memref<10112x128xf32, #tpu.memory_space<vmem_shared>> -> memref<632x128xf32, #tpu.memory_space<vmem_shared>>
      tpu.enqueue_dma source(%dma_start3A_83 : memref<632x128xf32, #tpu.memory_space<vmem_shared>>) target(%dma_start3A_81 : memref<632x128xf32, #tpu.memory_space<hbm>>) target_semaphore(%run_scoped3A : memref<!tpu.dma_semaphore, #tpu.memory_space<semaphore_mem>>)
      %dma_wait3A_84 = arith.constant 0 : i32
      %dma_wait3A_85 = tpu.memref_slice %arg6[%arg0, %mul3A_78, %dma_wait3A_84] : memref<2x10112x128xf32, #tpu.memory_space<hbm>> -> memref<1x632x128xf32, #tpu.memory_space<hbm>>
      %dma_wait3A_86 = tpu.memref_squeeze %dma_wait3A_85 : memref<1x632x128xf32, #tpu.memory_space<hbm>> -> memref<632x128xf32, #tpu.memory_space<hbm>>
      %dma_wait3A_87 = arith.constant 0 : i32
      %dma_wait3A_88 = tpu.memref_slice %arg10[%mul3A_76, %dma_wait3A_87] : memref<10112x128xf32, #tpu.memory_space<vmem_shared>> -> memref<632x128xf32, #tpu.memory_space<vmem_shared>>
      tpu.wait_dma2 semaphore(%run_scoped3A : memref<!tpu.dma_semaphore, #tpu.memory_space<semaphore_mem>>) src(%dma_wait3A_88 : memref<632x128xf32, #tpu.memory_space<vmem_shared>>) dst(%dma_wait3A_86 : memref<632x128xf32, #tpu.memory_space<hbm>>)
      tpu.yield
    }) : () -> ()
    return
  }
}

#map = affine_map<(d0, d1) -> (0, 0)>
module attributes {stable_mosaic.version = 14 : i64} {
  func.func @_sc_deg_body(%arg0: i32, %arg1: i32, %arg2: memref<32x10000xi32, #tpu.memory_space<hbm>>, %arg3: memref<32x10112xf32, #tpu.memory_space<hbm>>, %arg4: memref<10000xi32, #tpu.memory_space<vmem>>, %arg5: memref<10112xf32, #tpu.memory_space<vmem>>) attributes {dimension_semantics = [#tpu.dimension_semantics<core_parallel>, #tpu.dimension_semantics<subcore_parallel>], iteration_bounds = array<i64: 2, 16>, scalar_prefetch = 0 : i64, scratch_operands = 2 : i64, tpu.core_type = #tpu.core_type<sc_vector_subcore>, window_params = [{transform_indices = #map}, {transform_indices = #map}]} {
    %mul3A = arith.constant 16 : i32
    %mul3A_0 = arith.muli %arg0, %mul3A : i32
    %add3A = arith.addi %mul3A_0, %arg1 : i32
    "tpu.region"() ({
      %run_scoped3A = tpu.sem_alloc : memref<!tpu.dma_semaphore, #tpu.memory_space<semaphore_mem>>
      %dma_start3A = arith.constant 0 : i32
      %dma_start3A_10 = tpu.memref_slice %arg2[%add3A, %dma_start3A] : memref<32x10000xi32, #tpu.memory_space<hbm>> -> memref<1x10000xi32, #tpu.memory_space<hbm>>
      %dma_start3A_11 = tpu.memref_squeeze %dma_start3A_10 : memref<1x10000xi32, #tpu.memory_space<hbm>> -> memref<10000xi32, #tpu.memory_space<hbm>>
      %dma_start3A_12 = arith.constant 0 : i32
      %dma_start3A_13 = tpu.memref_slice %arg2[%add3A, %dma_start3A_12] : memref<32x10000xi32, #tpu.memory_space<hbm>> -> memref<1x10000xi32, #tpu.memory_space<hbm>>
      %dma_start3A_14 = tpu.memref_squeeze %dma_start3A_13 : memref<1x10000xi32, #tpu.memory_space<hbm>> -> memref<10000xi32, #tpu.memory_space<hbm>>
      tpu.enqueue_dma source(%dma_start3A_14 : memref<10000xi32, #tpu.memory_space<hbm>>) target(%arg4 : memref<10000xi32, #tpu.memory_space<vmem>>) target_semaphore(%run_scoped3A : memref<!tpu.dma_semaphore, #tpu.memory_space<semaphore_mem>>)
      %dma_wait3A = arith.constant 0 : i32
      %dma_wait3A_15 = tpu.memref_slice %arg2[%add3A, %dma_wait3A] : memref<32x10000xi32, #tpu.memory_space<hbm>> -> memref<1x10000xi32, #tpu.memory_space<hbm>>
      %dma_wait3A_16 = tpu.memref_squeeze %dma_wait3A_15 : memref<1x10000xi32, #tpu.memory_space<hbm>> -> memref<10000xi32, #tpu.memory_space<hbm>>
      %dma_wait3A_17 = arith.constant 0 : i32
      %dma_wait3A_18 = tpu.memref_slice %arg2[%add3A, %dma_wait3A_17] : memref<32x10000xi32, #tpu.memory_space<hbm>> -> memref<1x10000xi32, #tpu.memory_space<hbm>>
      %dma_wait3A_19 = tpu.memref_squeeze %dma_wait3A_18 : memref<1x10000xi32, #tpu.memory_space<hbm>> -> memref<10000xi32, #tpu.memory_space<hbm>>
      tpu.wait_dma2 semaphore(%run_scoped3A : memref<!tpu.dma_semaphore, #tpu.memory_space<semaphore_mem>>) src(%dma_wait3A_19 : memref<10000xi32, #tpu.memory_space<hbm>>) dst(%arg4 : memref<10000xi32, #tpu.memory_space<vmem>>)
      tpu.yield
    }) : () -> ()
    %scan3A = arith.constant 0 : i32
    %scan3A_1 = arith.constant 632 : i32
    %scan3A_2 = arith.addi %scan3A, %scan3A_1 : i32
    %scan3A_3 = arith.constant 1 : i32
    scf.for %scan3A_10 = %scan3A to %scan3A_2 step %scan3A_3  : i32 {
      %broadcast_in_dim3A = arith.constant 0.000000e+00 : f32
      %broadcast_in_dim3A_11 = vector.broadcast %broadcast_in_dim3A : f32 to vector<16xf32>
      %mul3A_12 = arith.constant 16 : i32
      %mul3A_13 = arith.muli %scan3A_10, %mul3A_12 : i32
      %swap3A = arith.index_cast %mul3A_13 : i32 to index
      %swap3A_14 = tpu.vector_load %arg5[%swap3A] {strides = array<i32>} : memref<10112xf32, #tpu.memory_space<vmem>>, vector<16xf32>,
      tpu.vector_store %arg5[%swap3A], %broadcast_in_dim3A_11 {strides = array<i32>} : memref<10112xf32, #tpu.memory_space<vmem>>, vector<16xf32>,
    }
    %scan3A_4 = arith.constant 632 : i32
    %scan3A_5 = arith.constant 0 : i32
    %scan3A_6 = arith.constant 625 : i32
    %scan3A_7 = arith.addi %scan3A_5, %scan3A_6 : i32
    %scan3A_8 = arith.constant 1 : i32
    scf.for %scan3A_10 = %scan3A_5 to %scan3A_7 step %scan3A_8  : i32 {
      %mul3A_11 = arith.constant 16 : i32
      %mul3A_12 = arith.muli %scan3A_10, %mul3A_11 : i32
      %get3A = arith.index_cast %mul3A_12 : i32 to index
      %get3A_13 = tpu.vector_load %arg4[%get3A] {strides = array<i32>} : memref<10000xi32, #tpu.memory_space<vmem>>, vector<16xi32>,
      %broadcast_in_dim3A = arith.constant 1.000000e+00 : f32
      %broadcast_in_dim3A_14 = vector.broadcast %broadcast_in_dim3A : f32 to vector<16xf32>
      tpu.vector_store_idx %arg5[%get3A_13], %broadcast_in_dim3A_14 {add = true} : memref<10112xf32, #tpu.memory_space<vmem>>[vector<16xi32>], vector<16xf32>,
    }
    %scan3A_9 = arith.constant 625 : i32
    "tpu.region"() ({
      %run_scoped3A = tpu.sem_alloc : memref<!tpu.dma_semaphore, #tpu.memory_space<semaphore_mem>>
      %dma_start3A = arith.constant 0 : i32
      %dma_start3A_10 = tpu.memref_slice %arg3[%add3A, %dma_start3A] : memref<32x10112xf32, #tpu.memory_space<hbm>> -> memref<1x10112xf32, #tpu.memory_space<hbm>>
      %dma_start3A_11 = tpu.memref_squeeze %dma_start3A_10 : memref<1x10112xf32, #tpu.memory_space<hbm>> -> memref<10112xf32, #tpu.memory_space<hbm>>
      %dma_start3A_12 = arith.constant 0 : i32
      %dma_start3A_13 = tpu.memref_slice %arg3[%add3A, %dma_start3A_12] : memref<32x10112xf32, #tpu.memory_space<hbm>> -> memref<1x10112xf32, #tpu.memory_space<hbm>>
      %dma_start3A_14 = tpu.memref_squeeze %dma_start3A_13 : memref<1x10112xf32, #tpu.memory_space<hbm>> -> memref<10112xf32, #tpu.memory_space<hbm>>
      tpu.enqueue_dma source(%arg5 : memref<10112xf32, #tpu.memory_space<vmem>>) target(%dma_start3A_14 : memref<10112xf32, #tpu.memory_space<hbm>>) target_semaphore(%run_scoped3A : memref<!tpu.dma_semaphore, #tpu.memory_space<semaphore_mem>>)
      %dma_wait3A = arith.constant 0 : i32
      %dma_wait3A_15 = tpu.memref_slice %arg3[%add3A, %dma_wait3A] : memref<32x10112xf32, #tpu.memory_space<hbm>> -> memref<1x10112xf32, #tpu.memory_space<hbm>>
      %dma_wait3A_16 = tpu.memref_squeeze %dma_wait3A_15 : memref<1x10112xf32, #tpu.memory_space<hbm>> -> memref<10112xf32, #tpu.memory_space<hbm>>
      %dma_wait3A_17 = arith.constant 0 : i32
      %dma_wait3A_18 = tpu.memref_slice %arg3[%add3A, %dma_wait3A_17] : memref<32x10112xf32, #tpu.memory_space<hbm>> -> memref<1x10112xf32, #tpu.memory_space<hbm>>
      %dma_wait3A_19 = tpu.memref_squeeze %dma_wait3A_18 : memref<1x10112xf32, #tpu.memory_space<hbm>> -> memref<10112xf32, #tpu.memory_space<hbm>>
      tpu.wait_dma2 semaphore(%run_scoped3A : memref<!tpu.dma_semaphore, #tpu.memory_space<semaphore_mem>>) src(%arg5 : memref<10112xf32, #tpu.memory_space<vmem>>) dst(%dma_wait3A_19 : memref<10112xf32, #tpu.memory_space<hbm>>)
      tpu.yield
    }) : () -> ()
    return
  }
}

#map = affine_map<(d0, d1) -> (0, 0)>
#map1 = affine_map<(d0, d1) -> (0, 0, 0)>
module attributes {stable_mosaic.version = 14 : i64} {
  func.func @_sc_scatter_body(%arg0: i32, %arg1: i32, %arg2: memref<10112x128xf32, #tpu.memory_space<hbm>>, %arg3: memref<32x10000xi32, #tpu.memory_space<hbm>>, %arg4: memref<32x125x80xi32, #tpu.memory_space<hbm>>, %arg5: memref<632x128xf32, #tpu.memory_space<hbm>>, %arg6: memref<2x10112x128xf32, #tpu.memory_space<hbm>>, %arg7: memref<10000xi32, #tpu.memory_space<vmem>>, %arg8: memref<125x80xi32, #tpu.memory_space<vmem>>, %arg9: memref<2x80x128xf32, #tpu.memory_space<vmem>>, %arg10: memref<10112x128xf32, #tpu.memory_space<vmem_shared>>, %arg11: memref<2x!tpu.dma_semaphore, #tpu.memory_space<semaphore_mem>>, %arg12: memref<2x!tpu.dma_semaphore, #tpu.memory_space<semaphore_mem>>) attributes {dimension_semantics = [#tpu.dimension_semantics<core_parallel>, #tpu.dimension_semantics<subcore_parallel>], iteration_bounds = array<i64: 2, 16>, scalar_prefetch = 0 : i64, scratch_operands = 6 : i64, tpu.core_type = #tpu.core_type<sc_vector_subcore>, window_params = [{transform_indices = #map}, {transform_indices = #map}, {transform_indices = #map1}, {transform_indices = #map}, {transform_indices = #map1}]} {
    %mul3A = arith.constant 16 : i32
    %mul3A_0 = arith.muli %arg0, %mul3A : i32
    %add3A = arith.addi %mul3A_0, %arg1 : i32
    "tpu.region"() ({
      %run_scoped3A = tpu.sem_alloc : memref<!tpu.dma_semaphore, #tpu.memory_space<semaphore_mem>>
      %dma_start3A_79 = arith.constant 0 : i32
      %dma_start3A_80 = tpu.memref_slice %arg3[%add3A, %dma_start3A_79] : memref<32x10000xi32, #tpu.memory_space<hbm>> -> memref<1x10000xi32, #tpu.memory_space<hbm>>
      %dma_start3A_81 = tpu.memref_squeeze %dma_start3A_80 : memref<1x10000xi32, #tpu.memory_space<hbm>> -> memref<10000xi32, #tpu.memory_space<hbm>>
      %dma_start3A_82 = arith.constant 0 : i32
      %dma_start3A_83 = tpu.memref_slice %arg3[%add3A, %dma_start3A_82] : memref<32x10000xi32, #tpu.memory_space<hbm>> -> memref<1x10000xi32, #tpu.memory_space<hbm>>
      %dma_start3A_84 = tpu.memref_squeeze %dma_start3A_83 : memref<1x10000xi32, #tpu.memory_space<hbm>> -> memref<10000xi32, #tpu.memory_space<hbm>>
      tpu.enqueue_dma source(%dma_start3A_84 : memref<10000xi32, #tpu.memory_space<hbm>>) target(%arg7 : memref<10000xi32, #tpu.memory_space<vmem>>) target_semaphore(%run_scoped3A : memref<!tpu.dma_semaphore, #tpu.memory_space<semaphore_mem>>)
      %dma_wait3A_85 = arith.constant 0 : i32
      %dma_wait3A_86 = tpu.memref_slice %arg3[%add3A, %dma_wait3A_85] : memref<32x10000xi32, #tpu.memory_space<hbm>> -> memref<1x10000xi32, #tpu.memory_space<hbm>>
      %dma_wait3A_87 = tpu.memref_squeeze %dma_wait3A_86 : memref<1x10000xi32, #tpu.memory_space<hbm>> -> memref<10000xi32, #tpu.memory_space<hbm>>
      %dma_wait3A_88 = arith.constant 0 : i32
      %dma_wait3A_89 = tpu.memref_slice %arg3[%add3A, %dma_wait3A_88] : memref<32x10000xi32, #tpu.memory_space<hbm>> -> memref<1x10000xi32, #tpu.memory_space<hbm>>
      %dma_wait3A_90 = tpu.memref_squeeze %dma_wait3A_89 : memref<1x10000xi32, #tpu.memory_space<hbm>> -> memref<10000xi32, #tpu.memory_space<hbm>>
      tpu.wait_dma2 semaphore(%run_scoped3A : memref<!tpu.dma_semaphore, #tpu.memory_space<semaphore_mem>>) src(%dma_wait3A_90 : memref<10000xi32, #tpu.memory_space<hbm>>) dst(%arg7 : memref<10000xi32, #tpu.memory_space<vmem>>)
      tpu.yield
    }) : () -> ()
    "tpu.region"() ({
      %run_scoped3A = tpu.sem_alloc : memref<!tpu.dma_semaphore, #tpu.memory_space<semaphore_mem>>
      %dma_start3A_79 = arith.constant 0 : i32
      %dma_start3A_80 = arith.constant 0 : i32
      %dma_start3A_81 = tpu.memref_slice %arg4[%add3A, %dma_start3A_79, %dma_start3A_80] : memref<32x125x80xi32, #tpu.memory_space<hbm>> -> memref<1x125x80xi32, #tpu.memory_space<hbm>>
      %dma_start3A_82 = tpu.memref_squeeze %dma_start3A_81 : memref<1x125x80xi32, #tpu.memory_space<hbm>> -> memref<125x80xi32, #tpu.memory_space<hbm>>
      %dma_start3A_83 = arith.constant 0 : i32
      %dma_start3A_84 = arith.constant 0 : i32
      %dma_start3A_85 = tpu.memref_slice %arg4[%add3A, %dma_start3A_83, %dma_start3A_84] : memref<32x125x80xi32, #tpu.memory_space<hbm>> -> memref<1x125x80xi32, #tpu.memory_space<hbm>>
      %dma_start3A_86 = tpu.memref_squeeze %dma_start3A_85 : memref<1x125x80xi32, #tpu.memory_space<hbm>> -> memref<125x80xi32, #tpu.memory_space<hbm>>
      tpu.enqueue_dma source(%dma_start3A_86 : memref<125x80xi32, #tpu.memory_space<hbm>>) target(%arg8 : memref<125x80xi32, #tpu.memory_space<vmem>>) target_semaphore(%run_scoped3A : memref<!tpu.dma_semaphore, #tpu.memory_space<semaphore_mem>>)
      %dma_wait3A_87 = arith.constant 0 : i32
      %dma_wait3A_88 = arith.constant 0 : i32
      %dma_wait3A_89 = tpu.memref_slice %arg4[%add3A, %dma_wait3A_87, %dma_wait3A_88] : memref<32x125x80xi32, #tpu.memory_space<hbm>> -> memref<1x125x80xi32, #tpu.memory_space<hbm>>
      %dma_wait3A_90 = tpu.memref_squeeze %dma_wait3A_89 : memref<1x125x80xi32, #tpu.memory_space<hbm>> -> memref<125x80xi32, #tpu.memory_space<hbm>>
      %dma_wait3A_91 = arith.constant 0 : i32
      %dma_wait3A_92 = arith.constant 0 : i32
      %dma_wait3A_93 = tpu.memref_slice %arg4[%add3A, %dma_wait3A_91, %dma_wait3A_92] : memref<32x125x80xi32, #tpu.memory_space<hbm>> -> memref<1x125x80xi32, #tpu.memory_space<hbm>>
      %dma_wait3A_94 = tpu.memref_squeeze %dma_wait3A_93 : memref<1x125x80xi32, #tpu.memory_space<hbm>> -> memref<125x80xi32, #tpu.memory_space<hbm>>
      tpu.wait_dma2 semaphore(%run_scoped3A : memref<!tpu.dma_semaphore, #tpu.memory_space<semaphore_mem>>) src(%dma_wait3A_94 : memref<125x80xi32, #tpu.memory_space<hbm>>) dst(%arg8 : memref<125x80xi32, #tpu.memory_space<vmem>>)
      tpu.yield
    }) : () -> ()
    %mul3A_1 = arith.constant 632 : i32
    %mul3A_2 = arith.muli %arg1, %mul3A_1 : i32
    "tpu.region"() ({
      %run_scoped3A = tpu.sem_alloc : memref<!tpu.dma_semaphore, #tpu.memory_space<semaphore_mem>>
      %dma_start3A_79 = arith.constant 0 : i32
      %dma_start3A_80 = tpu.memref_slice %arg10[%mul3A_2, %dma_start3A_79] : memref<10112x128xf32, #tpu.memory_space<vmem_shared>> -> memref<632x128xf32, #tpu.memory_space<vmem_shared>>
      tpu.enqueue_dma source(%arg5 : memref<632x128xf32, #tpu.memory_space<hbm>>) target(%dma_start3A_80 : memref<632x128xf32, #tpu.memory_space<vmem_shared>>) target_semaphore(%run_scoped3A : memref<!tpu.dma_semaphore, #tpu.memory_space<semaphore_mem>>)
      %dma_wait3A_81 = arith.constant 0 : i32
      %dma_wait3A_82 = tpu.memref_slice %arg10[%mul3A_2, %dma_wait3A_81] : memref<10112x128xf32, #tpu.memory_space<vmem_shared>> -> memref<632x128xf32, #tpu.memory_space<vmem_shared>>
      tpu.wait_dma2 semaphore(%run_scoped3A : memref<!tpu.dma_semaphore, #tpu.memory_space<semaphore_mem>>) src(%arg5 : memref<632x128xf32, #tpu.memory_space<hbm>>) dst(%dma_wait3A_82 : memref<632x128xf32, #tpu.memory_space<vmem_shared>>)
      tpu.yield
    }) : () -> ()
    %barrier3A = arith.constant 0 : index
    tpu.barrier barrier_id(%barrier3A)
    %dma_start3A = arith.constant 0 : i32
    %dma_start3A_3 = arith.constant 0 : i32
    %dma_start3A_4 = arith.constant 0 : i32
    %dma_start3A_5 = arith.constant 0 : i32
    %dma_start3A_6 = tpu.memref_slice %arg9[%dma_start3A, %dma_start3A_4, %dma_start3A_5] : memref<2x80x128xf32, #tpu.memory_space<vmem>> -> memref<1x80x128xf32, #tpu.memory_space<vmem>>
    %dma_start3A_7 = tpu.memref_squeeze %dma_start3A_6 : memref<1x80x128xf32, #tpu.memory_space<vmem>> -> memref<80x128xf32, #tpu.memory_space<vmem>>
    %dma_start3A_8 = arith.constant 0 : i32
    %dma_start3A_9 = tpu.memref_slice %arg7[%dma_start3A_8] : memref<10000xi32, #tpu.memory_space<vmem>> -> memref<80xi32, #tpu.memory_space<vmem>>
    %dma_start3A_10 = arith.constant 0 : i32
    %dma_start3A_11 = arith.constant 0 : i32
    %dma_start3A_12 = tpu.memref_slice %arg2[%dma_start3A_10, %dma_start3A_11] : memref<10112x128xf32, #tpu.memory_space<hbm>> -> memref<10112x128xf32, #tpu.memory_space<hbm>>
    %dma_start3A_13 = tpu.memref_slice %arg11[%dma_start3A_3] : memref<2x!tpu.dma_semaphore, #tpu.memory_space<semaphore_mem>> -> memref<1x!tpu.dma_semaphore, #tpu.memory_space<semaphore_mem>>
    %dma_start3A_14 = tpu.memref_squeeze %dma_start3A_13 : memref<1x!tpu.dma_semaphore, #tpu.memory_space<semaphore_mem>> -> memref<!tpu.dma_semaphore, #tpu.memory_space<semaphore_mem>>
    tpu.enqueue_indirect_dma source(%dma_start3A_12 : memref<10112x128xf32, #tpu.memory_space<hbm>>) target(%dma_start3A_7 : memref<80x128xf32, #tpu.memory_space<vmem>>) offsets(%dma_start3A_9 : memref<80xi32, #tpu.memory_space<vmem>>) semaphore(%dma_start3A_14 : memref<!tpu.dma_semaphore, #tpu.memory_space<semaphore_mem>>)
    %dma_start3A_15 = arith.constant 1 : i32
    %dma_start3A_16 = arith.constant 1 : i32
    %dma_start3A_17 = arith.constant 0 : i32
    %dma_start3A_18 = arith.constant 0 : i32
    %dma_start3A_19 = tpu.memref_slice %arg9[%dma_start3A_15, %dma_start3A_17, %dma_start3A_18] : memref<2x80x128xf32, #tpu.memory_space<vmem>> -> memref<1x80x128xf32, #tpu.memory_space<vmem>>
    %dma_start3A_20 = tpu.memref_squeeze %dma_start3A_19 : memref<1x80x128xf32, #tpu.memory_space<vmem>> -> memref<80x128xf32, #tpu.memory_space<vmem>>
    %dma_start3A_21 = arith.constant 80 : i32
    %dma_start3A_22 = tpu.memref_slice %arg7[%dma_start3A_21] : memref<10000xi32, #tpu.memory_space<vmem>> -> memref<80xi32, #tpu.memory_space<vmem>>
    %dma_start3A_23 = arith.constant 0 : i32
    %dma_start3A_24 = arith.constant 0 : i32
    %dma_start3A_25 = tpu.memref_slice %arg2[%dma_start3A_23, %dma_start3A_24] : memref<10112x128xf32, #tpu.memory_space<hbm>> -> memref<10112x128xf32, #tpu.memory_space<hbm>>
    %dma_start3A_26 = tpu.memref_slice %arg11[%dma_start3A_16] : memref<2x!tpu.dma_semaphore, #tpu.memory_space<semaphore_mem>> -> memref<1x!tpu.dma_semaphore, #tpu.memory_space<semaphore_mem>>
    %dma_start3A_27 = tpu.memref_squeeze %dma_start3A_26 : memref<1x!tpu.dma_semaphore, #tpu.memory_space<semaphore_mem>> -> memref<!tpu.dma_semaphore, #tpu.memory_space<semaphore_mem>>
    tpu.enqueue_indirect_dma source(%dma_start3A_25 : memref<10112x128xf32, #tpu.memory_space<hbm>>) target(%dma_start3A_20 : memref<80x128xf32, #tpu.memory_space<vmem>>) offsets(%dma_start3A_22 : memref<80xi32, #tpu.memory_space<vmem>>) semaphore(%dma_start3A_27 : memref<!tpu.dma_semaphore, #tpu.memory_space<semaphore_mem>>)
    %scan3A = arith.constant 0 : i32
    %scan3A_28 = arith.constant 62 : i32
    %scan3A_29 = arith.addi %scan3A, %scan3A_28 : i32
    %scan3A_30 = arith.constant 1 : i32
    scf.for %scan3A_79 = %scan3A to %scan3A_29 step %scan3A_30  : i32 {
      %mul3A_80 = arith.constant 2 : i32
      %mul3A_81 = arith.muli %scan3A_79, %mul3A_80 : i32
      %add3A_82 = arith.constant 0 : i32
      %add3A_83 = arith.addi %mul3A_81, %add3A_82 : i32
      %mul3A_84 = arith.constant 80 : i32
      %mul3A_85 = arith.muli %add3A_83, %mul3A_84 : i32
      %dma_wait3A_86 = arith.constant 0 : i32
      %dma_wait3A_87 = arith.constant 0 : i32
      %dma_wait3A_88 = arith.constant 0 : i32
      %dma_wait3A_89 = arith.constant 0 : i32
      %dma_wait3A_90 = tpu.memref_slice %arg9[%dma_wait3A_86, %dma_wait3A_88, %dma_wait3A_89] : memref<2x80x128xf32, #tpu.memory_space<vmem>> -> memref<1x80x128xf32, #tpu.memory_space<vmem>>
      %dma_wait3A_91 = tpu.memref_squeeze %dma_wait3A_90 : memref<1x80x128xf32, #tpu.memory_space<vmem>> -> memref<80x128xf32, #tpu.memory_space<vmem>>
      %dma_wait3A_92 = tpu.memref_slice %arg7[%mul3A_85] : memref<10000xi32, #tpu.memory_space<vmem>> -> memref<80xi32, #tpu.memory_space<vmem>>
      %dma_wait3A_93 = arith.constant 0 : i32
      %dma_wait3A_94 = arith.constant 0 : i32
      %dma_wait3A_95 = tpu.memref_slice %arg2[%dma_wait3A_93, %dma_wait3A_94] : memref<10112x128xf32, #tpu.memory_space<hbm>> -> memref<10112x128xf32, #tpu.memory_space<hbm>>
      %dma_wait3A_96 = tpu.memref_slice %arg11[%dma_wait3A_87] : memref<2x!tpu.dma_semaphore, #tpu.memory_space<semaphore_mem>> -> memref<1x!tpu.dma_semaphore, #tpu.memory_space<semaphore_mem>>
      %dma_wait3A_97 = tpu.memref_squeeze %dma_wait3A_96 : memref<1x!tpu.dma_semaphore, #tpu.memory_space<semaphore_mem>> -> memref<!tpu.dma_semaphore, #tpu.memory_space<semaphore_mem>>
      tpu.wait_indirect_dma semaphore(%dma_wait3A_97 : memref<!tpu.dma_semaphore, #tpu.memory_space<semaphore_mem>>) src(%dma_wait3A_95 : memref<10112x128xf32, #tpu.memory_space<hbm>>) dst(%dma_wait3A_91 : memref<80x128xf32, #tpu.memory_space<vmem>>)
      %dma_start3A_98 = arith.constant 0 : i32
      %dma_start3A_99 = arith.constant 0 : i32
      %dma_start3A_100 = arith.constant 0 : i32
      %dma_start3A_101 = arith.constant 0 : i32
      %dma_start3A_102 = tpu.memref_slice %arg9[%dma_start3A_98, %dma_start3A_100, %dma_start3A_101] : memref<2x80x128xf32, #tpu.memory_space<vmem>> -> memref<1x80x128xf32, #tpu.memory_space<vmem>>
      %dma_start3A_103 = tpu.memref_squeeze %dma_start3A_102 : memref<1x80x128xf32, #tpu.memory_space<vmem>> -> memref<80x128xf32, #tpu.memory_space<vmem>>
      %dma_start3A_104 = arith.constant 0 : i32
      %dma_start3A_105 = tpu.memref_slice %arg8[%add3A_83, %dma_start3A_104] : memref<125x80xi32, #tpu.memory_space<vmem>> -> memref<1x80xi32, #tpu.memory_space<vmem>>
      %dma_start3A_106 = tpu.memref_squeeze %dma_start3A_105 : memref<1x80xi32, #tpu.memory_space<vmem>> -> memref<80xi32, #tpu.memory_space<vmem>>
      %dma_start3A_107 = arith.constant 0 : i32
      %dma_start3A_108 = arith.constant 0 : i32
      %dma_start3A_109 = tpu.memref_slice %arg10[%dma_start3A_107, %dma_start3A_108] : memref<10112x128xf32, #tpu.memory_space<vmem_shared>> -> memref<10112x128xf32, #tpu.memory_space<vmem_shared>>
      %dma_start3A_110 = tpu.memref_slice %arg12[%dma_start3A_99] : memref<2x!tpu.dma_semaphore, #tpu.memory_space<semaphore_mem>> -> memref<1x!tpu.dma_semaphore, #tpu.memory_space<semaphore_mem>>
      %dma_start3A_111 = tpu.memref_squeeze %dma_start3A_110 : memref<1x!tpu.dma_semaphore, #tpu.memory_space<semaphore_mem>> -> memref<!tpu.dma_semaphore, #tpu.memory_space<semaphore_mem>>
      tpu.enqueue_indirect_dma source(%dma_start3A_103 : memref<80x128xf32, #tpu.memory_space<vmem>>) target(%dma_start3A_109 : memref<10112x128xf32, #tpu.memory_space<vmem_shared>>) offsets(%dma_start3A_106 : memref<80xi32, #tpu.memory_space<vmem>>) semaphore(%dma_start3A_111 : memref<!tpu.dma_semaphore, #tpu.memory_space<semaphore_mem>>) {add = true}
      %mul3A_112 = arith.constant 2 : i32
      %mul3A_113 = arith.muli %scan3A_79, %mul3A_112 : i32
      %add3A_114 = arith.constant 1 : i32
      %add3A_115 = arith.addi %mul3A_113, %add3A_114 : i32
      %mul3A_116 = arith.constant 80 : i32
      %mul3A_117 = arith.muli %add3A_115, %mul3A_116 : i32
      %dma_wait3A_118 = arith.constant 1 : i32
      %dma_wait3A_119 = arith.constant 1 : i32
      %dma_wait3A_120 = arith.constant 0 : i32
      %dma_wait3A_121 = arith.constant 0 : i32
      %dma_wait3A_122 = tpu.memref_slice %arg9[%dma_wait3A_118, %dma_wait3A_120, %dma_wait3A_121] : memref<2x80x128xf32, #tpu.memory_space<vmem>> -> memref<1x80x128xf32, #tpu.memory_space<vmem>>
      %dma_wait3A_123 = tpu.memref_squeeze %dma_wait3A_122 : memref<1x80x128xf32, #tpu.memory_space<vmem>> -> memref<80x128xf32, #tpu.memory_space<vmem>>
      %dma_wait3A_124 = tpu.memref_slice %arg7[%mul3A_117] : memref<10000xi32, #tpu.memory_space<vmem>> -> memref<80xi32, #tpu.memory_space<vmem>>
      %dma_wait3A_125 = arith.constant 0 : i32
      %dma_wait3A_126 = arith.constant 0 : i32
      %dma_wait3A_127 = tpu.memref_slice %arg2[%dma_wait3A_125, %dma_wait3A_126] : memref<10112x128xf32, #tpu.memory_space<hbm>> -> memref<10112x128xf32, #tpu.memory_space<hbm>>
      %dma_wait3A_128 = tpu.memref_slice %arg11[%dma_wait3A_119] : memref<2x!tpu.dma_semaphore, #tpu.memory_space<semaphore_mem>> -> memref<1x!tpu.dma_semaphore, #tpu.memory_space<semaphore_mem>>
      %dma_wait3A_129 = tpu.memref_squeeze %dma_wait3A_128 : memref<1x!tpu.dma_semaphore, #tpu.memory_space<semaphore_mem>> -> memref<!tpu.dma_semaphore, #tpu.memory_space<semaphore_mem>>
      tpu.wait_indirect_dma semaphore(%dma_wait3A_129 : memref<!tpu.dma_semaphore, #tpu.memory_space<semaphore_mem>>) src(%dma_wait3A_127 : memref<10112x128xf32, #tpu.memory_space<hbm>>) dst(%dma_wait3A_123 : memref<80x128xf32, #tpu.memory_space<vmem>>)
      %dma_start3A_130 = arith.constant 1 : i32
      %dma_start3A_131 = arith.constant 1 : i32
      %dma_start3A_132 = arith.constant 0 : i32
      %dma_start3A_133 = arith.constant 0 : i32
      %dma_start3A_134 = tpu.memref_slice %arg9[%dma_start3A_130, %dma_start3A_132, %dma_start3A_133] : memref<2x80x128xf32, #tpu.memory_space<vmem>> -> memref<1x80x128xf32, #tpu.memory_space<vmem>>
      %dma_start3A_135 = tpu.memref_squeeze %dma_start3A_134 : memref<1x80x128xf32, #tpu.memory_space<vmem>> -> memref<80x128xf32, #tpu.memory_space<vmem>>
      %dma_start3A_136 = arith.constant 0 : i32
      %dma_start3A_137 = tpu.memref_slice %arg8[%add3A_115, %dma_start3A_136] : memref<125x80xi32, #tpu.memory_space<vmem>> -> memref<1x80xi32, #tpu.memory_space<vmem>>
      %dma_start3A_138 = tpu.memref_squeeze %dma_start3A_137 : memref<1x80xi32, #tpu.memory_space<vmem>> -> memref<80xi32, #tpu.memory_space<vmem>>
      %dma_start3A_139 = arith.constant 0 : i32
      %dma_start3A_140 = arith.constant 0 : i32
      %dma_start3A_141 = tpu.memref_slice %arg10[%dma_start3A_139, %dma_start3A_140] : memref<10112x128xf32, #tpu.memory_space<vmem_shared>> -> memref<10112x128xf32, #tpu.memory_space<vmem_shared>>
      %dma_start3A_142 = tpu.memref_slice %arg12[%dma_start3A_131] : memref<2x!tpu.dma_semaphore, #tpu.memory_space<semaphore_mem>> -> memref<1x!tpu.dma_semaphore, #tpu.memory_space<semaphore_mem>>
      %dma_start3A_143 = tpu.memref_squeeze %dma_start3A_142 : memref<1x!tpu.dma_semaphore, #tpu.memory_space<semaphore_mem>> -> memref<!tpu.dma_semaphore, #tpu.memory_space<semaphore_mem>>
      tpu.enqueue_indirect_dma source(%dma_start3A_135 : memref<80x128xf32, #tpu.memory_space<vmem>>) target(%dma_start3A_141 : memref<10112x128xf32, #tpu.memory_space<vmem_shared>>) offsets(%dma_start3A_138 : memref<80xi32, #tpu.memory_space<vmem>>) semaphore(%dma_start3A_143 : memref<!tpu.dma_semaphore, #tpu.memory_space<semaphore_mem>>) {add = true}
      %mul3A_144 = arith.constant 2 : i32
      %mul3A_145 = arith.muli %scan3A_79, %mul3A_144 : i32
      %add3A_146 = arith.constant 0 : i32
      %add3A_147 = arith.addi %mul3A_145, %add3A_146 : i32
      %dma_wait3A_148 = arith.constant 0 : i32
      %dma_wait3A_149 = arith.constant 0 : i32
      %dma_wait3A_150 = arith.constant 0 : i32
      %dma_wait3A_151 = arith.constant 0 : i32
      %dma_wait3A_152 = tpu.memref_slice %arg9[%dma_wait3A_148, %dma_wait3A_150, %dma_wait3A_151] : memref<2x80x128xf32, #tpu.memory_space<vmem>> -> memref<1x80x128xf32, #tpu.memory_space<vmem>>
      %dma_wait3A_153 = tpu.memref_squeeze %dma_wait3A_152 : memref<1x80x128xf32, #tpu.memory_space<vmem>> -> memref<80x128xf32, #tpu.memory_space<vmem>>
      %dma_wait3A_154 = arith.constant 0 : i32
      %dma_wait3A_155 = tpu.memref_slice %arg8[%add3A_147, %dma_wait3A_154] : memref<125x80xi32, #tpu.memory_space<vmem>> -> memref<1x80xi32, #tpu.memory_space<vmem>>
      %dma_wait3A_156 = tpu.memref_squeeze %dma_wait3A_155 : memref<1x80xi32, #tpu.memory_space<vmem>> -> memref<80xi32, #tpu.memory_space<vmem>>
      %dma_wait3A_157 = arith.constant 0 : i32
      %dma_wait3A_158 = arith.constant 0 : i32
      %dma_wait3A_159 = tpu.memref_slice %arg10[%dma_wait3A_157, %dma_wait3A_158] : memref<10112x128xf32, #tpu.memory_space<vmem_shared>> -> memref<10112x128xf32, #tpu.memory_space<vmem_shared>>
      %dma_wait3A_160 = tpu.memref_slice %arg12[%dma_wait3A_149] : memref<2x!tpu.dma_semaphore, #tpu.memory_space<semaphore_mem>> -> memref<1x!tpu.dma_semaphore, #tpu.memory_space<semaphore_mem>>
      %dma_wait3A_161 = tpu.memref_squeeze %dma_wait3A_160 : memref<1x!tpu.dma_semaphore, #tpu.memory_space<semaphore_mem>> -> memref<!tpu.dma_semaphore, #tpu.memory_space<semaphore_mem>>
      tpu.wait_indirect_dma semaphore(%dma_wait3A_161 : memref<!tpu.dma_semaphore, #tpu.memory_space<semaphore_mem>>) src(%dma_wait3A_153 : memref<80x128xf32, #tpu.memory_space<vmem>>) dst(%dma_wait3A_159 : memref<10112x128xf32, #tpu.memory_space<vmem_shared>>)
      %add3A_162 = arith.constant 2 : i32
      %add3A_163 = arith.addi %add3A_147, %add3A_162 : i32
      %lt3A = arith.constant 125 : i32
      %lt3A_164 = arith.cmpi slt, %add3A_163, %lt3A : i32
      %convert_element_type3A = arith.extui %lt3A_164 : i1 to i32
      %cond3A = arith.constant 0 : i32
      %cond3A_165 = arith.cmpi ne, %convert_element_type3A, %cond3A : i32
      scf.if %cond3A_165 {
        %mul3A_191 = arith.constant 80 : i32
        %mul3A_192 = arith.muli %add3A_163, %mul3A_191 : i32
        %dma_start3A_193 = arith.constant 0 : i32
        %dma_start3A_194 = arith.constant 0 : i32
        %dma_start3A_195 = arith.constant 0 : i32
        %dma_start3A_196 = arith.constant 0 : i32
        %dma_start3A_197 = tpu.memref_slice %arg9[%dma_start3A_193, %dma_start3A_195, %dma_start3A_196] : memref<2x80x128xf32, #tpu.memory_space<vmem>> -> memref<1x80x128xf32, #tpu.memory_space<vmem>>
        %dma_start3A_198 = tpu.memref_squeeze %dma_start3A_197 : memref<1x80x128xf32, #tpu.memory_space<vmem>> -> memref<80x128xf32, #tpu.memory_space<vmem>>
        %dma_start3A_199 = tpu.memref_slice %arg7[%mul3A_192] : memref<10000xi32, #tpu.memory_space<vmem>> -> memref<80xi32, #tpu.memory_space<vmem>>
        %dma_start3A_200 = arith.constant 0 : i32
        %dma_start3A_201 = arith.constant 0 : i32
        %dma_start3A_202 = tpu.memref_slice %arg2[%dma_start3A_200, %dma_start3A_201] : memref<10112x128xf32, #tpu.memory_space<hbm>> -> memref<10112x128xf32, #tpu.memory_space<hbm>>
        %dma_start3A_203 = tpu.memref_slice %arg11[%dma_start3A_194] : memref<2x!tpu.dma_semaphore, #tpu.memory_space<semaphore_mem>> -> memref<1x!tpu.dma_semaphore, #tpu.memory_space<semaphore_mem>>
        %dma_start3A_204 = tpu.memref_squeeze %dma_start3A_203 : memref<1x!tpu.dma_semaphore, #tpu.memory_space<semaphore_mem>> -> memref<!tpu.dma_semaphore, #tpu.memory_space<semaphore_mem>>
        tpu.enqueue_indirect_dma source(%dma_start3A_202 : memref<10112x128xf32, #tpu.memory_space<hbm>>) target(%dma_start3A_198 : memref<80x128xf32, #tpu.memory_space<vmem>>) offsets(%dma_start3A_199 : memref<80xi32, #tpu.memory_space<vmem>>) semaphore(%dma_start3A_204 : memref<!tpu.dma_semaphore, #tpu.memory_space<semaphore_mem>>)
      } else {
      }
      %mul3A_166 = arith.constant 2 : i32
      %mul3A_167 = arith.muli %scan3A_79, %mul3A_166 : i32
      %add3A_168 = arith.constant 1 : i32
      %add3A_169 = arith.addi %mul3A_167, %add3A_168 : i32
      %dma_wait3A_170 = arith.constant 1 : i32
      %dma_wait3A_171 = arith.constant 1 : i32
      %dma_wait3A_172 = arith.constant 0 : i32
      %dma_wait3A_173 = arith.constant 0 : i32
      %dma_wait3A_174 = tpu.memref_slice %arg9[%dma_wait3A_170, %dma_wait3A_172, %dma_wait3A_173] : memref<2x80x128xf32, #tpu.memory_space<vmem>> -> memref<1x80x128xf32, #tpu.memory_space<vmem>>
      %dma_wait3A_175 = tpu.memref_squeeze %dma_wait3A_174 : memref<1x80x128xf32, #tpu.memory_space<vmem>> -> memref<80x128xf32, #tpu.memory_space<vmem>>
      %dma_wait3A_176 = arith.constant 0 : i32
      %dma_wait3A_177 = tpu.memref_slice %arg8[%add3A_169, %dma_wait3A_176] : memref<125x80xi32, #tpu.memory_space<vmem>> -> memref<1x80xi32, #tpu.memory_space<vmem>>
      %dma_wait3A_178 = tpu.memref_squeeze %dma_wait3A_177 : memref<1x80xi32, #tpu.memory_space<vmem>> -> memref<80xi32, #tpu.memory_space<vmem>>
      %dma_wait3A_179 = arith.constant 0 : i32
      %dma_wait3A_180 = arith.constant 0 : i32
      %dma_wait3A_181 = tpu.memref_slice %arg10[%dma_wait3A_179, %dma_wait3A_180] : memref<10112x128xf32, #tpu.memory_space<vmem_shared>> -> memref<10112x128xf32, #tpu.memory_space<vmem_shared>>
      %dma_wait3A_182 = tpu.memref_slice %arg12[%dma_wait3A_171] : memref<2x!tpu.dma_semaphore, #tpu.memory_space<semaphore_mem>> -> memref<1x!tpu.dma_semaphore, #tpu.memory_space<semaphore_mem>>
      %dma_wait3A_183 = tpu.memref_squeeze %dma_wait3A_182 : memref<1x!tpu.dma_semaphore, #tpu.memory_space<semaphore_mem>> -> memref<!tpu.dma_semaphore, #tpu.memory_space<semaphore_mem>>
      tpu.wait_indirect_dma semaphore(%dma_wait3A_183 : memref<!tpu.dma_semaphore, #tpu.memory_space<semaphore_mem>>) src(%dma_wait3A_175 : memref<80x128xf32, #tpu.memory_space<vmem>>) dst(%dma_wait3A_181 : memref<10112x128xf32, #tpu.memory_space<vmem_shared>>)
      %add3A_184 = arith.constant 2 : i32
      %add3A_185 = arith.addi %add3A_169, %add3A_184 : i32
      %lt3A_186 = arith.constant 125 : i32
      %lt3A_187 = arith.cmpi slt, %add3A_185, %lt3A_186 : i32
      %convert_element_type3A_188 = arith.extui %lt3A_187 : i1 to i32
      %cond3A_189 = arith.constant 0 : i32
      %cond3A_190 = arith.cmpi ne, %convert_element_type3A_188, %cond3A_189 : i32
      scf.if %cond3A_190 {
        %mul3A_191 = arith.constant 80 : i32
        %mul3A_192 = arith.muli %add3A_185, %mul3A_191 : i32
        %dma_start3A_193 = arith.constant 1 : i32
        %dma_start3A_194 = arith.constant 1 : i32
        %dma_start3A_195 = arith.constant 0 : i32
        %dma_start3A_196 = arith.constant 0 : i32
        %dma_start3A_197 = tpu.memref_slice %arg9[%dma_start3A_193, %dma_start3A_195, %dma_start3A_196] : memref<2x80x128xf32, #tpu.memory_space<vmem>> -> memref<1x80x128xf32, #tpu.memory_space<vmem>>
        %dma_start3A_198 = tpu.memref_squeeze %dma_start3A_197 : memref<1x80x128xf32, #tpu.memory_space<vmem>> -> memref<80x128xf32, #tpu.memory_space<vmem>>
        %dma_start3A_199 = tpu.memref_slice %arg7[%mul3A_192] : memref<10000xi32, #tpu.memory_space<vmem>> -> memref<80xi32, #tpu.memory_space<vmem>>
        %dma_start3A_200 = arith.constant 0 : i32
        %dma_start3A_201 = arith.constant 0 : i32
        %dma_start3A_202 = tpu.memref_slice %arg2[%dma_start3A_200, %dma_start3A_201] : memref<10112x128xf32, #tpu.memory_space<hbm>> -> memref<10112x128xf32, #tpu.memory_space<hbm>>
        %dma_start3A_203 = tpu.memref_slice %arg11[%dma_start3A_194] : memref<2x!tpu.dma_semaphore, #tpu.memory_space<semaphore_mem>> -> memref<1x!tpu.dma_semaphore, #tpu.memory_space<semaphore_mem>>
        %dma_start3A_204 = tpu.memref_squeeze %dma_start3A_203 : memref<1x!tpu.dma_semaphore, #tpu.memory_space<semaphore_mem>> -> memref<!tpu.dma_semaphore, #tpu.memory_space<semaphore_mem>>
        tpu.enqueue_indirect_dma source(%dma_start3A_202 : memref<10112x128xf32, #tpu.memory_space<hbm>>) target(%dma_start3A_198 : memref<80x128xf32, #tpu.memory_space<vmem>>) offsets(%dma_start3A_199 : memref<80xi32, #tpu.memory_space<vmem>>) semaphore(%dma_start3A_204 : memref<!tpu.dma_semaphore, #tpu.memory_space<semaphore_mem>>)
      } else {
      }
    }
    %scan3A_31 = arith.constant 62 : i32
    %dma_wait3A = arith.constant 0 : i32
    %dma_wait3A_32 = arith.constant 0 : i32
    %dma_wait3A_33 = arith.constant 0 : i32
    %dma_wait3A_34 = arith.constant 0 : i32
    %dma_wait3A_35 = tpu.memref_slice %arg9[%dma_wait3A, %dma_wait3A_33, %dma_wait3A_34] : memref<2x80x128xf32, #tpu.memory_space<vmem>> -> memref<1x80x128xf32, #tpu.memory_space<vmem>>
    %dma_wait3A_36 = tpu.memref_squeeze %dma_wait3A_35 : memref<1x80x128xf32, #tpu.memory_space<vmem>> -> memref<80x128xf32, #tpu.memory_space<vmem>>
    %dma_wait3A_37 = arith.constant 9920 : i32
    %dma_wait3A_38 = tpu.memref_slice %arg7[%dma_wait3A_37] : memref<10000xi32, #tpu.memory_space<vmem>> -> memref<80xi32, #tpu.memory_space<vmem>>
    %dma_wait3A_39 = arith.constant 0 : i32
    %dma_wait3A_40 = arith.constant 0 : i32
    %dma_wait3A_41 = tpu.memref_slice %arg2[%dma_wait3A_39, %dma_wait3A_40] : memref<10112x128xf32, #tpu.memory_space<hbm>> -> memref<10112x128xf32, #tpu.memory_space<hbm>>
    %dma_wait3A_42 = tpu.memref_slice %arg11[%dma_wait3A_32] : memref<2x!tpu.dma_semaphore, #tpu.memory_space<semaphore_mem>> -> memref<1x!tpu.dma_semaphore, #tpu.memory_space<semaphore_mem>>
    %dma_wait3A_43 = tpu.memref_squeeze %dma_wait3A_42 : memref<1x!tpu.dma_semaphore, #tpu.memory_space<semaphore_mem>> -> memref<!tpu.dma_semaphore, #tpu.memory_space<semaphore_mem>>
    tpu.wait_indirect_dma semaphore(%dma_wait3A_43 : memref<!tpu.dma_semaphore, #tpu.memory_space<semaphore_mem>>) src(%dma_wait3A_41 : memref<10112x128xf32, #tpu.memory_space<hbm>>) dst(%dma_wait3A_36 : memref<80x128xf32, #tpu.memory_space<vmem>>)
    %dma_start3A_44 = arith.constant 0 : i32
    %dma_start3A_45 = arith.constant 124 : i32
    %dma_start3A_46 = arith.constant 0 : i32
    %dma_start3A_47 = arith.constant 0 : i32
    %dma_start3A_48 = arith.constant 0 : i32
    %dma_start3A_49 = tpu.memref_slice %arg9[%dma_start3A_44, %dma_start3A_47, %dma_start3A_48] : memref<2x80x128xf32, #tpu.memory_space<vmem>> -> memref<1x80x128xf32, #tpu.memory_space<vmem>>
    %dma_start3A_50 = tpu.memref_squeeze %dma_start3A_49 : memref<1x80x128xf32, #tpu.memory_space<vmem>> -> memref<80x128xf32, #tpu.memory_space<vmem>>
    %dma_start3A_51 = arith.constant 0 : i32
    %dma_start3A_52 = tpu.memref_slice %arg8[%dma_start3A_45, %dma_start3A_51] : memref<125x80xi32, #tpu.memory_space<vmem>> -> memref<1x80xi32, #tpu.memory_space<vmem>>
    %dma_start3A_53 = tpu.memref_squeeze %dma_start3A_52 : memref<1x80xi32, #tpu.memory_space<vmem>> -> memref<80xi32, #tpu.memory_space<vmem>>
    %dma_start3A_54 = arith.constant 0 : i32
    %dma_start3A_55 = arith.constant 0 : i32
    %dma_start3A_56 = tpu.memref_slice %arg10[%dma_start3A_54, %dma_start3A_55] : memref<10112x128xf32, #tpu.memory_space<vmem_shared>> -> memref<10112x128xf32, #tpu.memory_space<vmem_shared>>
    %dma_start3A_57 = tpu.memref_slice %arg12[%dma_start3A_46] : memref<2x!tpu.dma_semaphore, #tpu.memory_space<semaphore_mem>> -> memref<1x!tpu.dma_semaphore, #tpu.memory_space<semaphore_mem>>
    %dma_start3A_58 = tpu.memref_squeeze %dma_start3A_57 : memref<1x!tpu.dma_semaphore, #tpu.memory_space<semaphore_mem>> -> memref<!tpu.dma_semaphore, #tpu.memory_space<semaphore_mem>>
    tpu.enqueue_indirect_dma source(%dma_start3A_50 : memref<80x128xf32, #tpu.memory_space<vmem>>) target(%dma_start3A_56 : memref<10112x128xf32, #tpu.memory_space<vmem_shared>>) offsets(%dma_start3A_53 : memref<80xi32, #tpu.memory_space<vmem>>) semaphore(%dma_start3A_58 : memref<!tpu.dma_semaphore, #tpu.memory_space<semaphore_mem>>) {add = true}
    %dma_wait3A_59 = arith.constant 0 : i32
    %dma_wait3A_60 = arith.constant 124 : i32
    %dma_wait3A_61 = arith.constant 0 : i32
    %dma_wait3A_62 = arith.constant 0 : i32
    %dma_wait3A_63 = arith.constant 0 : i32
    %dma_wait3A_64 = tpu.memref_slice %arg9[%dma_wait3A_59, %dma_wait3A_62, %dma_wait3A_63] : memref<2x80x128xf32, #tpu.memory_space<vmem>> -> memref<1x80x128xf32, #tpu.memory_space<vmem>>
    %dma_wait3A_65 = tpu.memref_squeeze %dma_wait3A_64 : memref<1x80x128xf32, #tpu.memory_space<vmem>> -> memref<80x128xf32, #tpu.memory_space<vmem>>
    %dma_wait3A_66 = arith.constant 0 : i32
    %dma_wait3A_67 = tpu.memref_slice %arg8[%dma_wait3A_60, %dma_wait3A_66] : memref<125x80xi32, #tpu.memory_space<vmem>> -> memref<1x80xi32, #tpu.memory_space<vmem>>
    %dma_wait3A_68 = tpu.memref_squeeze %dma_wait3A_67 : memref<1x80xi32, #tpu.memory_space<vmem>> -> memref<80xi32, #tpu.memory_space<vmem>>
    %dma_wait3A_69 = arith.constant 0 : i32
    %dma_wait3A_70 = arith.constant 0 : i32
    %dma_wait3A_71 = tpu.memref_slice %arg10[%dma_wait3A_69, %dma_wait3A_70] : memref<10112x128xf32, #tpu.memory_space<vmem_shared>> -> memref<10112x128xf32, #tpu.memory_space<vmem_shared>>
    %dma_wait3A_72 = tpu.memref_slice %arg12[%dma_wait3A_61] : memref<2x!tpu.dma_semaphore, #tpu.memory_space<semaphore_mem>> -> memref<1x!tpu.dma_semaphore, #tpu.memory_space<semaphore_mem>>
    %dma_wait3A_73 = tpu.memref_squeeze %dma_wait3A_72 : memref<1x!tpu.dma_semaphore, #tpu.memory_space<semaphore_mem>> -> memref<!tpu.dma_semaphore, #tpu.memory_space<semaphore_mem>>
    tpu.wait_indirect_dma semaphore(%dma_wait3A_73 : memref<!tpu.dma_semaphore, #tpu.memory_space<semaphore_mem>>) src(%dma_wait3A_65 : memref<80x128xf32, #tpu.memory_space<vmem>>) dst(%dma_wait3A_71 : memref<10112x128xf32, #tpu.memory_space<vmem_shared>>)
    %barrier3A_74 = arith.constant 0 : index
    tpu.barrier barrier_id(%barrier3A_74)
    %mul3A_75 = arith.constant 632 : i32
    %mul3A_76 = arith.muli %arg1, %mul3A_75 : i32
    %mul3A_77 = arith.constant 632 : i32
    %mul3A_78 = arith.muli %arg1, %mul3A_77 : i32
    "tpu.region"() ({
      %run_scoped3A = tpu.sem_alloc : memref<!tpu.dma_semaphore, #tpu.memory_space<semaphore_mem>>
      %dma_start3A_79 = arith.constant 0 : i32
      %dma_start3A_80 = tpu.memref_slice %arg6[%arg0, %mul3A_78, %dma_start3A_79] : memref<2x10112x128xf32, #tpu.memory_space<hbm>> -> memref<1x632x128xf32, #tpu.memory_space<hbm>>
      %dma_start3A_81 = tpu.memref_squeeze %dma_start3A_80 : memref<1x632x128xf32, #tpu.memory_space<hbm>> -> memref<632x128xf32, #tpu.memory_space<hbm>>
      %dma_start3A_82 = arith.constant 0 : i32
      %dma_start3A_83 = tpu.memref_slice %arg10[%mul3A_76, %dma_start3A_82] : memref<10112x128xf32, #tpu.memory_space<vmem_shared>> -> memref<632x128xf32, #tpu.memory_space<vmem_shared>>
      tpu.enqueue_dma source(%dma_start3A_83 : memref<632x128xf32, #tpu.memory_space<vmem_shared>>) target(%dma_start3A_81 : memref<632x128xf32, #tpu.memory_space<hbm>>) target_semaphore(%run_scoped3A : memref<!tpu.dma_semaphore, #tpu.memory_space<semaphore_mem>>)
      %dma_wait3A_84 = arith.constant 0 : i32
      %dma_wait3A_85 = tpu.memref_slice %arg6[%arg0, %mul3A_78, %dma_wait3A_84] : memref<2x10112x128xf32, #tpu.memory_space<hbm>> -> memref<1x632x128xf32, #tpu.memory_space<hbm>>
      %dma_wait3A_86 = tpu.memref_squeeze %dma_wait3A_85 : memref<1x632x128xf32, #tpu.memory_space<hbm>> -> memref<632x128xf32, #tpu.memory_space<hbm>>
      %dma_wait3A_87 = arith.constant 0 : i32
      %dma_wait3A_88 = tpu.memref_slice %arg10[%mul3A_76, %dma_wait3A_87] : memref<10112x128xf32, #tpu.memory_space<vmem_shared>> -> memref<632x128xf32, #tpu.memory_space<vmem_shared>>
      tpu.wait_dma2 semaphore(%run_scoped3A : memref<!tpu.dma_semaphore, #tpu.memory_space<semaphore_mem>>) src(%dma_wait3A_88 : memref<632x128xf32, #tpu.memory_space<vmem_shared>>) dst(%dma_wait3A_86 : memref<632x128xf32, #tpu.memory_space<hbm>>)
      tpu.yield
    }) : () -> ()
    return
  }
}

module attributes {stable_mosaic.version = 14 : i64} {
  func.func @_tc_fuse1_body(%arg0: i32, %arg1: memref<1x1264x128xf32, #tpu.memory_space<vmem>>, %arg2: memref<1x1264x128xf32, #tpu.memory_space<vmem>>, %arg3: memref<1264x128xf32, #tpu.memory_space<vmem>>, %arg4: memref<1264x1xf32, #tpu.memory_space<vmem>>, %arg5: memref<1x128xf32, #tpu.memory_space<vmem>>, %arg6: memref<128x128xf32, #tpu.memory_space<vmem>>, %arg7: memref<1264x128xf32, #tpu.memory_space<vmem>>) attributes {dimension_semantics = [#tpu.dimension_semantics<arbitrary>], iteration_bounds = array<i64: 8>, scalar_prefetch = 0 : i64, scratch_operands = 0 : i64, tpu.core_type = #tpu.core_type<tc>, window_params = [{transform_indices = @transform_0, window_bounds = array<i64: 1, 1264, 128>}, {transform_indices = @transform_1, window_bounds = array<i64: 1, 1264, 128>}, {transform_indices = @transform_2, window_bounds = array<i64: 1264, 128>}, {transform_indices = @transform_3, window_bounds = array<i64: 1264, 1>}, {pipeline_mode = #tpu.pipeline_mode<synchronous>, transform_indices = @transform_4, window_bounds = array<i64: 1, 128>}, {pipeline_mode = #tpu.pipeline_mode<synchronous>, transform_indices = @transform_5, window_bounds = array<i64: 128, 128>}, {transform_indices = @transform_6, window_bounds = array<i64: 1264, 128>}]} {
    %get3A = arith.constant 0 : index
    %get3A_0 = arith.constant 0 : index
    %get3A_1 = arith.constant 0 : index
    %get3A_2 = vector.load %arg1[%get3A, %get3A_0, %get3A_1] : memref<1x1264x128xf32, #tpu.memory_space<vmem>>, vector<1x1264x128xf32>
    %get3A_3 = vector.shape_cast %get3A_2 : vector<1x1264x128xf32> to vector<1264x128xf32>
    %get3A_4 = arith.constant 0 : index
    %get3A_5 = arith.constant 0 : index
    %get3A_6 = arith.constant 0 : index
    %get3A_7 = vector.load %arg2[%get3A_4, %get3A_5, %get3A_6] : memref<1x1264x128xf32, #tpu.memory_space<vmem>>, vector<1x1264x128xf32>
    %get3A_8 = vector.shape_cast %get3A_7 : vector<1x1264x128xf32> to vector<1264x128xf32>
    %add3A = arith.addf %get3A_3, %get3A_8 : vector<1264x128xf32>
    %get3A_9 = arith.constant 0 : index
    %get3A_10 = arith.constant 0 : index
    %get3A_11 = vector.load %arg3[%get3A_9, %get3A_10] : memref<1264x128xf32, #tpu.memory_space<vmem>>, vector<1264x128xf32>
    %add3A_12 = arith.addf %add3A, %get3A_11 : vector<1264x128xf32>
    %get3A_13 = arith.constant 0 : index
    %get3A_14 = arith.constant 0 : index
    %get3A_15 = vector.load %arg4[%get3A_13, %get3A_14] : memref<1264x1xf32, #tpu.memory_space<vmem>>, vector<1264x1xf32>
    %mul3A = vector.broadcast %get3A_15 : vector<1264x1xf32> to vector<1264x128xf32>
    %mul3A_16 = arith.mulf %add3A_12, %mul3A : vector<1264x128xf32>
    %get3A_17 = arith.constant 0 : index
    %get3A_18 = arith.constant 0 : index
    %get3A_19 = vector.load %arg5[%get3A_17, %get3A_18] : memref<1x128xf32, #tpu.memory_space<vmem>>, vector<1x128xf32>
    %add3A_20 = vector.broadcast %get3A_19 : vector<1x128xf32> to vector<1264x128xf32>
    %add3A_21 = arith.addf %mul3A_16, %add3A_20 : vector<1264x128xf32>
    %max3A = arith.constant 0.000000e+00 : f32
    %max3A_22 = vector.broadcast %max3A : f32 to vector<1264x128xf32>
    %max3A_23 = arith.maximumf %add3A_21, %max3A_22 : vector<1264x128xf32>
    %get3A_24 = arith.constant 0 : index
    %get3A_25 = arith.constant 0 : index
    %get3A_26 = vector.load %arg6[%get3A_24, %get3A_25] : memref<128x128xf32, #tpu.memory_space<vmem>>, vector<128x128xf32>
    %dot_general3A = arith.constant dense<0.000000e+00> : vector<1264x128xf32>
    %dot_general3A_27 = tpu.matmul %max3A_23, %get3A_26, %dot_general3A {dimension_numbers = #tpu.dot_dimension_numbers<[1], [0], [0], [1], [0, 0, 1, 1], [], []>, transpose_lhs_hint = false} : vector<1264x128xf32>, vector<128x128xf32>, vector<1264x128xf32> -> vector<1264x128xf32>
    %get3A_28 = arith.constant 0 : index
    %get3A_29 = arith.constant 0 : index
    %get3A_30 = vector.load %arg4[%get3A_28, %get3A_29] : memref<1264x1xf32, #tpu.memory_space<vmem>>, vector<1264x1xf32>
    %mul3A_31 = vector.broadcast %get3A_30 : vector<1264x1xf32> to vector<1264x128xf32>
    %mul3A_32 = arith.mulf %dot_general3A_27, %mul3A_31 : vector<1264x128xf32>
    %swap3A = arith.constant 0 : index
    %swap3A_33 = arith.constant 0 : index
    %swap3A_34 = vector.load %arg7[%swap3A, %swap3A_33] : memref<1264x128xf32, #tpu.memory_space<vmem>>, vector<1264x128xf32>
    tpu.vector_store %arg7[%swap3A, %swap3A_33], %mul3A_32 {strides = array<i32>} : memref<1264x128xf32, #tpu.memory_space<vmem>>, vector<1264x128xf32>,
    return
  }
  func.func @transform_0(%arg0: i32) -> (i32, i32, i32) {
    %c0_i32 = arith.constant 0 : i32
    %c0_i32_0 = arith.constant 0 : i32
    %c0_i32_1 = arith.constant 0 : i32
    return %c0_i32, %arg0, %c0_i32_0 : i32, i32, i32
  }
  func.func @transform_1(%arg0: i32) -> (i32, i32, i32) {
    %c1_i32 = arith.constant 1 : i32
    %c0_i32 = arith.constant 0 : i32
    %c0_i32_0 = arith.constant 0 : i32
    return %c1_i32, %arg0, %c0_i32 : i32, i32, i32
  }
  func.func @transform_2(%arg0: i32) -> (i32, i32) {
    %c0_i32 = arith.constant 0 : i32
    %c0_i32_0 = arith.constant 0 : i32
    return %arg0, %c0_i32 : i32, i32
  }
  func.func @transform_3(%arg0: i32) -> (i32, i32) {
    %c0_i32 = arith.constant 0 : i32
    %c0_i32_0 = arith.constant 0 : i32
    return %arg0, %c0_i32 : i32, i32
  }
  func.func @transform_4(%arg0: i32) -> (i32, i32) {
    %c0_i32 = arith.constant 0 : i32
    %c0_i32_0 = arith.constant 0 : i32
    %c0_i32_1 = arith.constant 0 : i32
    return %c0_i32, %c0_i32_0 : i32, i32
  }
  func.func @transform_5(%arg0: i32) -> (i32, i32) {
    %c0_i32 = arith.constant 0 : i32
    %c0_i32_0 = arith.constant 0 : i32
    %c0_i32_1 = arith.constant 0 : i32
    return %c0_i32, %c0_i32_0 : i32, i32
  }
  func.func @transform_6(%arg0: i32) -> (i32, i32) {
    %c0_i32 = arith.constant 0 : i32
    %c0_i32_0 = arith.constant 0 : i32
    return %arg0, %c0_i32 : i32, i32
  }
}

module attributes {stable_mosaic.version = 14 : i64} {
  func.func @_tc_mmdvhs_body(%arg0: i32, %arg1: memref<1264x128xf32, #tpu.memory_space<vmem>>, %arg2: memref<1264x32xf32, #tpu.memory_space<vmem>>, %arg3: memref<128x128xf32, #tpu.memory_space<vmem>>, %arg4: memref<1264x1xf32, #tpu.memory_space<vmem>>, %arg5: memref<1264x128xf32, #tpu.memory_space<vmem>>) attributes {dimension_semantics = [#tpu.dimension_semantics<arbitrary>], iteration_bounds = array<i64: 8>, scalar_prefetch = 0 : i64, scratch_operands = 0 : i64, tpu.core_type = #tpu.core_type<tc>, window_params = [{transform_indices = @transform_0, window_bounds = array<i64: 1264, 128>}, {transform_indices = @transform_1, window_bounds = array<i64: 1264, 32>}, {pipeline_mode = #tpu.pipeline_mode<synchronous>, transform_indices = @transform_2, window_bounds = array<i64: 128, 128>}, {transform_indices = @transform_3, window_bounds = array<i64: 1264, 1>}, {transform_indices = @transform_4, window_bounds = array<i64: 1264, 128>}]} {
    %get3A = arith.constant 0 : index
    %get3A_0 = arith.constant 0 : index
    %get3A_1 = vector.load %arg2[%get3A, %get3A_0] : memref<1264x32xf32, #tpu.memory_space<vmem>>, vector<1264x32xf32>
    %reduce_sum3A = arith.constant dense<0.000000e+00> : vector<1264xf32>
    %reduce_sum3A_2 = vector.multi_reduction <add>, %get3A_1, %reduce_sum3A [1] : vector<1264x32xf32> to vector<1264xf32>
    %broadcast_in_dim3A = vector.shape_cast %reduce_sum3A_2 : vector<1264xf32> to vector<1264x1xf32>
    %add3A = arith.constant 1.000000e+00 : f32
    %add3A_3 = vector.broadcast %add3A : f32 to vector<1264x1xf32>
    %add3A_4 = arith.addf %broadcast_in_dim3A, %add3A_3 : vector<1264x1xf32>
    %rsqrt3A = math.rsqrt %add3A_4 : vector<1264x1xf32>
    %swap3A = arith.constant 0 : index
    %swap3A_5 = arith.constant 0 : index
    %swap3A_6 = vector.load %arg4[%swap3A, %swap3A_5] : memref<1264x1xf32, #tpu.memory_space<vmem>>, vector<1264x1xf32>
    tpu.vector_store %arg4[%swap3A, %swap3A_5], %rsqrt3A {strides = array<i32>} : memref<1264x1xf32, #tpu.memory_space<vmem>>, vector<1264x1xf32>,
    %get3A_7 = arith.constant 0 : index
    %get3A_8 = arith.constant 0 : index
    %get3A_9 = vector.load %arg1[%get3A_7, %get3A_8] : memref<1264x128xf32, #tpu.memory_space<vmem>>, vector<1264x128xf32>
    %get3A_10 = arith.constant 0 : index
    %get3A_11 = arith.constant 0 : index
    %get3A_12 = vector.load %arg3[%get3A_10, %get3A_11] : memref<128x128xf32, #tpu.memory_space<vmem>>, vector<128x128xf32>
    %dot_general3A = arith.constant dense<0.000000e+00> : vector<1264x128xf32>
    %dot_general3A_13 = tpu.matmul %get3A_9, %get3A_12, %dot_general3A {dimension_numbers = #tpu.dot_dimension_numbers<[1], [0], [0], [1], [0, 0, 1, 1], [], []>, transpose_lhs_hint = false} : vector<1264x128xf32>, vector<128x128xf32>, vector<1264x128xf32> -> vector<1264x128xf32>
    %mul3A = vector.broadcast %rsqrt3A : vector<1264x1xf32> to vector<1264x128xf32>
    %mul3A_14 = arith.mulf %dot_general3A_13, %mul3A : vector<1264x128xf32>
    %swap3A_15 = arith.constant 0 : index
    %swap3A_16 = arith.constant 0 : index
    %swap3A_17 = vector.load %arg5[%swap3A_15, %swap3A_16] : memref<1264x128xf32, #tpu.memory_space<vmem>>, vector<1264x128xf32>
    tpu.vector_store %arg5[%swap3A_15, %swap3A_16], %mul3A_14 {strides = array<i32>} : memref<1264x128xf32, #tpu.memory_space<vmem>>, vector<1264x128xf32>,
    return
  }
  func.func @transform_0(%arg0: i32) -> (i32, i32) {
    %c0_i32 = arith.constant 0 : i32
    %c0_i32_0 = arith.constant 0 : i32
    return %arg0, %c0_i32 : i32, i32
  }
  func.func @transform_1(%arg0: i32) -> (i32, i32) {
    %c0_i32 = arith.constant 0 : i32
    %c0_i32_0 = arith.constant 0 : i32
    return %arg0, %c0_i32 : i32, i32
  }
  func.func @transform_2(%arg0: i32) -> (i32, i32) {
    %c0_i32 = arith.constant 0 : i32
    %c0_i32_0 = arith.constant 0 : i32
    %c0_i32_1 = arith.constant 0 : i32
    return %c0_i32, %c0_i32_0 : i32, i32
  }
  func.func @transform_3(%arg0: i32) -> (i32, i32) {
    %c0_i32 = arith.constant 0 : i32
    %c0_i32_0 = arith.constant 0 : i32
    return %arg0, %c0_i32 : i32, i32
  }
  func.func @transform_4(%arg0: i32) -> (i32, i32) {
    %c0_i32 = arith.constant 0 : i32
    %c0_i32_0 = arith.constant 0 : i32
    return %arg0, %c0_i32 : i32, i32
  }
}

module attributes {stable_mosaic.version = 14 : i64} {
  func.func @_tc_fuse2_body(%arg0: i32, %arg1: memref<1x2000x128xf32, #tpu.memory_space<vmem>>, %arg2: memref<1x2000x128xf32, #tpu.memory_space<vmem>>, %arg3: memref<2000x128xf32, #tpu.memory_space<vmem>>, %arg4: memref<2000x1xf32, #tpu.memory_space<vmem>>, %arg5: memref<1x128xf32, #tpu.memory_space<vmem>>, %arg6: memref<2000x128xf32, #tpu.memory_space<vmem>>) attributes {dimension_semantics = [#tpu.dimension_semantics<arbitrary>], iteration_bounds = array<i64: 5>, scalar_prefetch = 0 : i64, scratch_operands = 0 : i64, tpu.core_type = #tpu.core_type<tc>, window_params = [{transform_indices = @transform_0, window_bounds = array<i64: 1, 2000, 128>}, {transform_indices = @transform_1, window_bounds = array<i64: 1, 2000, 128>}, {transform_indices = @transform_2, window_bounds = array<i64: 2000, 128>}, {transform_indices = @transform_3, window_bounds = array<i64: 2000, 1>}, {pipeline_mode = #tpu.pipeline_mode<synchronous>, transform_indices = @transform_4, window_bounds = array<i64: 1, 128>}, {transform_indices = @transform_5, window_bounds = array<i64: 2000, 128>}]} {
    %get3A = arith.constant 0 : index
    %get3A_0 = arith.constant 0 : index
    %get3A_1 = arith.constant 0 : index
    %get3A_2 = vector.load %arg1[%get3A, %get3A_0, %get3A_1] : memref<1x2000x128xf32, #tpu.memory_space<vmem>>, vector<1x2000x128xf32>
    %get3A_3 = vector.shape_cast %get3A_2 : vector<1x2000x128xf32> to vector<2000x128xf32>
    %get3A_4 = arith.constant 0 : index
    %get3A_5 = arith.constant 0 : index
    %get3A_6 = arith.constant 0 : index
    %get3A_7 = vector.load %arg2[%get3A_4, %get3A_5, %get3A_6] : memref<1x2000x128xf32, #tpu.memory_space<vmem>>, vector<1x2000x128xf32>
    %get3A_8 = vector.shape_cast %get3A_7 : vector<1x2000x128xf32> to vector<2000x128xf32>
    %add3A = arith.addf %get3A_3, %get3A_8 : vector<2000x128xf32>
    %get3A_9 = arith.constant 0 : index
    %get3A_10 = arith.constant 0 : index
    %get3A_11 = vector.load %arg3[%get3A_9, %get3A_10] : memref<2000x128xf32, #tpu.memory_space<vmem>>, vector<2000x128xf32>
    %add3A_12 = arith.addf %add3A, %get3A_11 : vector<2000x128xf32>
    %get3A_13 = arith.constant 0 : index
    %get3A_14 = arith.constant 0 : index
    %get3A_15 = vector.load %arg4[%get3A_13, %get3A_14] : memref<2000x1xf32, #tpu.memory_space<vmem>>, vector<2000x1xf32>
    %mul3A = vector.broadcast %get3A_15 : vector<2000x1xf32> to vector<2000x128xf32>
    %mul3A_16 = arith.mulf %add3A_12, %mul3A : vector<2000x128xf32>
    %get3A_17 = arith.constant 0 : index
    %get3A_18 = arith.constant 0 : index
    %get3A_19 = vector.load %arg5[%get3A_17, %get3A_18] : memref<1x128xf32, #tpu.memory_space<vmem>>, vector<1x128xf32>
    %add3A_20 = vector.broadcast %get3A_19 : vector<1x128xf32> to vector<2000x128xf32>
    %add3A_21 = arith.addf %mul3A_16, %add3A_20 : vector<2000x128xf32>
    %swap3A = arith.constant 0 : index
    %swap3A_22 = arith.constant 0 : index
    %swap3A_23 = vector.load %arg6[%swap3A, %swap3A_22] : memref<2000x128xf32, #tpu.memory_space<vmem>>, vector<2000x128xf32>
    tpu.vector_store %arg6[%swap3A, %swap3A_22], %add3A_21 {strides = array<i32>} : memref<2000x128xf32, #tpu.memory_space<vmem>>, vector<2000x128xf32>,
    return
  }
  func.func @transform_0(%arg0: i32) -> (i32, i32, i32) {
    %c0_i32 = arith.constant 0 : i32
    %c0_i32_0 = arith.constant 0 : i32
    %c0_i32_1 = arith.constant 0 : i32
    return %c0_i32, %arg0, %c0_i32_0 : i32, i32, i32
  }
  func.func @transform_1(%arg0: i32) -> (i32, i32, i32) {
    %c1_i32 = arith.constant 1 : i32
    %c0_i32 = arith.constant 0 : i32
    %c0_i32_0 = arith.constant 0 : i32
    return %c1_i32, %arg0, %c0_i32 : i32, i32, i32
  }
  func.func @transform_2(%arg0: i32) -> (i32, i32) {
    %c0_i32 = arith.constant 0 : i32
    %c0_i32_0 = arith.constant 0 : i32
    return %arg0, %c0_i32 : i32, i32
  }
  func.func @transform_3(%arg0: i32) -> (i32, i32) {
    %c0_i32 = arith.constant 0 : i32
    %c0_i32_0 = arith.constant 0 : i32
    return %arg0, %c0_i32 : i32, i32
  }
  func.func @transform_4(%arg0: i32) -> (i32, i32) {
    %c0_i32 = arith.constant 0 : i32
    %c0_i32_0 = arith.constant 0 : i32
    %c0_i32_1 = arith.constant 0 : i32
    return %c0_i32, %c0_i32_0 : i32, i32
  }
  func.func @transform_5(%arg0: i32) -> (i32, i32) {
    %c0_i32 = arith.constant 0 : i32
    %c0_i32_0 = arith.constant 0 : i32
    return %arg0, %c0_i32 : i32, i32
  }
}

</mosaic_0001>

<sc_bundles>
// kernel: kernel.11.cloned.1.call-start
scs
__scs_entry_jumppad:
0x0: {  	(pc) =	sbr.rel $0x88, $3  }
0x1: {  	(tag) =	ssettag $0x0;
	lr =	simm.s32 $0x1  }
0x2: {  	[smem:$0x3F9B] =	sst lr;
	_ =	strace $0xD0000000  }
0x3: {  	_ = 	snop  }
0x4: {  	_ = 	snop  }
0x5: {  	_ = 	snop  }
0x6: {  	_ = 	snop  }
0x7: {  	_ = 	snop  }
__scs_overlays_trampoline_lowered:
0x8: {  	[smem:$0x3FAA] =	sst s0  }
0x9: {  	[smem:$0x3FAB] =	sst s1  }
0xa: {  	[smem:$0x3FAC] =	sst s2  }
0xb: {  	[smem:$0x3FAD] =	sst s3  }
0xc: {  	[smem:$0x3FAE] =	sst s4  }
0xd: {  	[smem:$0x3FAF] =	sst s5  }
0xe: {  	[smem:$0x3FB0] =	sst s6  }
0xf: {  	[smem:$0x3FB1] =	sst s7  }
0x10: {  	[smem:$0x3FB2] =	sst s8  }
0x11: {  	[smem:$0x3FB3] =	sst s9;
	s0 =	simm.s32 @!p0 $0x0  }
0x12: {  	s1 =	sld [smem:$0x3F99];
	s0 =	simm.s32 @p0 $0x1  }
0x13: {  	[smem:$0x3FB4] =	sst s0;
	s0 =	simm.s32 @!p1 $0x0  }
0x14: {  	s2 =	sld [smem:$0x3F98];
	s0 =	simm.s32 @p1 $0x1  }
0x15: {  	[smem:$0x3FB5] =	sst s0;
	s0 =	simm.s32 @!p2 $0x0  }
0x16: {  	s3 =	sld [smem:$0x3FDB];
	s0 =	simm.s32 @p2 $0x1  }
0x17: {  	s4 =	simm.s32 $0x1BF5;
	[smem:$0x3FB7] =	sst s0  }
0x18: {  	s0 =	sld [smem:$0x3F9A];
	_ =	swait.ge [sflag:s4], $0x0  }
0x19: {  	s7 =	sld [smem:$0x3F9B]  }
0x1a: {  	s8 =	sadd.s32 $0xFFFFE003, lr  }
0x1b: {  	s9 =	sadd.s32 $0xFFFFFEF7, lr;
	s5 =	simm.s32 $0xFFFFFFFF;
	p2 =	slt.u32 s8, $0xFFFFF086  }
0x1c: {  	p1 =	slt.u32 s9, $0xF7A;
	s5 =	simm.s32 @!p2 $0x0  }
0x1d: {  	s5 =	simm.s32 @p1 $0x1;
	p0 =	seq.s32 s7, s2  }
0x1e: {  	s7 =	smul.u32 @!p0 $0xF7A, s2;
	p2 =	seq.s32 @!p0 s5, $0x0  }
0x1f: {  	s9 =	smul.u32 $0xF7A, s1;
	s8 =	simm.s32 @!p0 $0x1BF5;
	p2 =	por !p2, p0  }
0x20: {  	[sflag:s8] =	ssyncset.s32 @!p0 $0xFFFFF086;
	s6 =	sadd.s32 @!p0 s3, s7;
	s7 =	simm.s32 @!p0 $0x108  }
0x21: {  	s3 =	sadd.s32 s3, s9;
	s6 =	sadd.s32 @!p0 $0x88, s6;
	s7 =	simm.s32 @p2 $0x1082  }
0x22: {  	[simem:s7], [sflag:s8] =	dma.local @!p0 [hbm:s6], $0xF7A  }
0x23: {  	s9 =	sor.u32 $0xD0000000, s2;
	s6 =	simm.s32 $0x108;
	_ =	swait.ge @!p0 [sflag:s8], $0x0  }
0x24: {  	s3 =	sadd.s32 $0x88, s3;
	s6 =	simm.s32 @!p1 $0x1082;
	[sflag:s4] =	ssyncset.s32 $0xFFFFF086  }
0x25: {  	[simem:s6], [sflag:s4] =	dma.local [hbm:s3], $0xF7A  }
0x26: {  	[smem:$0x3F9B] =	sst s1;
	(tag) =	ssettag s2;
	_ =	strace s9  }
0x27: {  	s1 =	sld [smem:$0x3FAB]  }
0x28: {  	s2 =	sld [smem:$0x3FAC]  }
0x29: {  	s4 =	sld [smem:$0x3FAE]  }
0x2a: {  	p0 =	seq.s32 s5, $0x0;
	s5 =	sld [smem:$0x3FAF]  }
0x2b: {  	s6 =	sld [smem:$0x3FB0]  }
0x2c: {  	s7 =	sld [smem:$0x3FB1]  }
0x2d: {  	s3 =	simm.s32 $0x108;
	s8 =	sld [smem:$0x3FB2]  }
0x2e: {  	s3 =	simm.s32 @!p0 $0x1082;
	s9 =	sld [smem:$0x3FB3]  }
0x2f: {  	lr =	sadd.s32 s0, s3;
	s0 =	sld [smem:$0x3FAA]  }
0x30: {  	s3 =	sld [smem:$0x3FAD]  }
0x31: {  	[smem:$0x3FB6] =	sst s10  }
0x32: {  	s10 =	sld [smem:$0x3FB4];
	_ =	sdelay $0x3  }
0x33: {  	p0 =	seq.s32 s10, $0x1;
	s10 =	sld [smem:$0x3FB6];
	_ =	sdelay $0x3  }
0x34: {  	[smem:$0x3FB6] =	sst s10  }
0x35: {  	s10 =	sld [smem:$0x3FB5];
	_ =	sdelay $0x3  }
0x36: {  	p1 =	seq.s32 s10, $0x1;
	s10 =	sld [smem:$0x3FB6];
	_ =	sdelay $0x3  }
0x37: {  	[smem:$0x3FB6] =	sst s10  }
0x38: {  	s10 =	sld [smem:$0x3FB7]  }
0x39: {  	_ = 	snop;
	(pc) =	sbr.ind lr, $3  }
0x3a: {  	_ = 	snop  }
0x3b: {  	_ = 	snop  }
0x3c: {  	p2 =	seq.s32 s10, $0x1;
	s10 =	sld [smem:$0x3FB6]  }
0x3d: {  	_ =	shalt  }
0x3e: {  	_ =	shalt  }
0x3f: {  	_ =	shalt  }
0x40: {  	_ =	shalt  }
0x41: {  	_ =	shalt  }
0x42: {  	_ =	shalt  }
0x43: {  	_ =	shalt  }
0x44: {  	_ =	shalt  }
0x45: {  	_ =	shalt  }
0x46: {  	_ =	shalt  }
0x47: {  	_ =	shalt  }
0x48: {  	_ =	shalt  }
0x49: {  	_ =	shalt  }
0x4a: {  	_ =	shalt  }
0x4b: {  	_ =	shalt  }
0x4c: {  	_ =	shalt  }
0x4d: {  	_ =	shalt  }
0x4e: {  	_ =	shalt  }
0x4f: {  	_ =	shalt  }
0x50: {  	_ =	shalt  }
0x51: {  	_ =	shalt  }
0x52: {  	_ =	shalt  }
0x53: {  	_ =	shalt  }
0x54: {  	_ =	shalt  }
0x55: {  	_ =	shalt  }
0x56: {  	_ =	shalt  }
0x57: {  	_ =	shalt  }
0x58: {  	_ =	shalt  }
0x59: {  	_ =	shalt  }
0x5a: {  	_ =	shalt  }
0x5b: {  	_ =	shalt  }
0x5c: {  	_ =	shalt  }
0x5d: {  	_ =	shalt  }
0x5e: {  	_ =	shalt  }
0x5f: {  	_ =	shalt  }
0x60: {  	_ =	shalt  }
0x61: {  	_ =	shalt  }
0x62: {  	_ =	shalt  }
0x63: {  	_ =	shalt  }
0x64: {  	_ =	shalt  }
0x65: {  	_ =	shalt  }
0x66: {  	_ =	shalt  }
0x67: {  	_ =	shalt  }
0x68: {  	_ =	shalt  }
0x69: {  	_ =	shalt  }
0x6a: {  	_ =	shalt  }
0x6b: {  	_ =	shalt  }
0x6c: {  	_ =	shalt  }
0x6d: {  	_ =	shalt  }
0x6e: {  	_ =	shalt  }
0x6f: {  	_ =	shalt  }
0x70: {  	_ =	shalt  }
0x71: {  	_ =	shalt  }
0x72: {  	_ =	shalt  }
0x73: {  	_ =	shalt  }
0x74: {  	_ =	shalt  }
0x75: {  	_ =	shalt  }
0x76: {  	_ =	shalt  }
0x77: {  	_ =	shalt  }
0x78: {  	_ =	shalt  }
0x79: {  	_ =	shalt  }
0x7a: {  	_ =	shalt  }
0x7b: {  	_ =	shalt  }
0x7c: {  	_ =	shalt  }
0x7d: {  	_ =	shalt  }
0x7e: {  	_ =	shalt  }
0x7f: {  	_ =	shalt  }
0x80: {  	_ =	shalt  }
0x81: {  	_ =	shalt  }
0x82: {  	_ =	shalt  }
0x83: {  	_ =	shalt  }
0x84: {  	_ =	shalt  }
0x85: {  	_ =	shalt  }
0x86: {  	_ =	shalt  }
0x87: {  	_ =	shalt  }
.Lfunc_end0:
.L_simem_size_0:
called_computation.1_lowered:
.L_overlay_start_0:
0x88: {  	s2 =	sld [smem:$0x3FD9]  }
0x89: {  	s3 =	sld [smem:$0x3FFE];
	_ =	sdelay $0x1  }
0x8a: {  	s1 =	srdreg.scid  }
0x8b: {  	s0 =	sand.u32 $0x1, s1  }
0x8c: {  	s17 =	sshll.u32 s0, $0xA;
	s2 =	sadd.s32 s3, s2  }
0x8d: {  	s2 =	sadd.s32 s2, s17  }
0x8e: {  	[smem:$0x3FC2] =	sst s2  }
0x8f: {  	_ = 	snop  }
0x90: {  	s2 =	sld [smem:$0x3FD0];
	(tm) =	ssettm $0x1  }
0x91: {  	s18 =	sld [smem:$0x3FFB];
	_ =	sdelay $0x3  }
0x92: {  	_ =	strace s18  }
0x93: {  	s3 =	sld [smem:$0x3FFC];
	_ =	sdelay $0x3  }
0x94: {  	_ =	strace s3  }
0x95: {  	s3 =	sld [smem:$0x3FFD];
	_ =	sdelay $0x3  }
0x96: {  	_ =	strace s3  }
0x97: {  	_ =	strace $0x8FFFFFFF  }
0x98: {  	s19 =	sld [smem:$0x3FDB];
	_ =	sdelay $0x1  }
0x99: {  	s4 =	simm.s32 $_scs_section_size  }
0x9a: {  	s5 =	simm.s32 $_size__tile_overlayer_lowered;
	s6 =	simm.s32 $_tile_overlayer_lowered  }
0x9b: {  	s22 =	simm.s32 $0x1BFF;
	s21 =	sshll.u32 s6, $0x1;
	s3 =	sadd.s32 s4, s19  }
0x9c: {  	s7 =	simm.s32 $0x0;
	s20 =	sshll.u32 s5, $0x1;
	s5 =	sadd.s32 s21, s3  }
0x9d: {  	[timem:s7], [sflag:s22] =	dma.local [hbm:s5], s20  }
0x9e: {  	_ =	swait.ge [sflag:s22], s20  }
0x9f: {  	s4 =	ssub.s32 $0x0, s20;
	[sflag:s22] =	ssyncset.done $0x0  }
0xa0: {  	[sflag:s22] =	ssyncadd.s32 s4;
	_ =	sdelay $0x1  }
0xa1: {  	s23 =	simm.s32 $0x1B8B  }
0xa2: {  	_ =	swait.ge [sflag:s23], $0x1  }
0xa3: {  	[sflag:s23] =	ssyncset.done $0x0  }
0xa4: {  	s25 =	simm.s32 $0x1B8E;
	s24 =	sld [smem:$0x3FFE];
	[sflag:s23] =	ssyncadd.s32 $0xFFFFFFFF  }
0xa5: {  	s26 =	simm.s32 $execute0_lowered;
	[smem:$0x3FD2] =	sst s25  }
0xa6: {  	s5 =	sshll.u32 s26, $0x1;
	_ =	strace $0x80000049;
	[dreg:$0x1] =	wrdreg $0xFFFFFFFF  }
0xa7: {  	s28 =	simm.s32 $_size_execute0_lowered;
	s3 =	sadd.s32 s3, s5;
	[dreg:$0x0] =	wrdreg $0x0  }
0xa8: {  	s5 =	sshll.u32 s28, $0x1;
	[dreg:$0x2] =	wrdreg s3  }
0xa9: {  	[dreg:$0x3] =	wrdreg s5  }
0xaa: {  	[dreg:$0x4] =	wrdreg $0xC0  }
0xab: {  	_ =	task [dreg:s7], $0x5FFFF  }
0xac: {  	[dreg:$0x1] =	wrdreg $0xFFFFFFFF  }
0xad: {  	[dreg:$0x0] =	wrdreg $0x60  }
0xae: {  	[dreg:$0x2] =	wrdreg s24  }
0xaf: {  	[dreg:$0x3] =	wrdreg s2  }
0xb0: {  	[dreg:$0x4] =	wrdreg $0xB7800  }
0xb1: {  	[dreg:$0x5] =	wrdreg $0x9  }
0xb2: {  	_ =	task.clear_ibuf [dreg:s7], $0x6FFFF;
	_ =	strace $0x90000049  }
0xb3: {  	s29 =	simm.s32 $0x9;
	_ =	strace $0x8000004B  }
0xb4: {  	_ =	swait.ge [sflag:s29], $0x1  }
0xb5: {  	[sflag:s29] =	ssyncadd.s32 $0xFFFFFFFF  }
0xb6: {  	_ =	strace $0x9000004B  }
0xb7: {  	_ =	sfence  }
0xb8: {  	s30 =	sld [smem:$0x0];
	_ =	sdelay $0x2  }
0xb9: {  	s31 =	sshll.u32 s1, $0xD;
	s1 =	sshrl.u32 s1, $0x2  }
0xba: {  	s3 =	sand.u32 $0x4000, s31;
	s1 =	sadd.s32 s1, s30  }
0xbb: {  	s0 =	sor.u32 s3, s0;
	s1 =	sshll.u32 s1, $0x11  }
0xbc: {  	s0 =	sor.u32 s1, s0  }
0xbd: {  	s0 =	sadd.s32 $0x8F2B, s0  }
0xbe: {  	[sflag:s0] =	ssyncadd.remote.s32 $0x1  }
0xbf: {  	_ =	sfence.sel $0xFFFF  }
0xc0: {  	[dreg:$0x0] =	wrdreg $0xFFFFFFFF;
	(pc) =	sbr.abs _section_cstart, $3  }
0xc1: {  	[dreg:$0x1] =	wrdreg $0xFFFFFFFF  }
0xc2: {  	_ =	task.clear_ibuf [dreg:s7], $0x2FFFF;
	_ =	strace $0x9FFFFFFF  }
0xc3: {  	(tm) =	ssettm $0x7FFFFFFF  }
tec
execute0_lowered:
.L_overlay_start_1:
0x0: {  	(tag) =	ssettag $0x1  }
0x1: {  	s0 =	srdreg.scid;
	s6 =	rddreg [dreg:$0x0]  }
0x2: {  	s26 =	stileid.u32;
	s7 =	rddreg [dreg:$0x1]  }
0x3: {  	s2 =	rddreg [dreg:$0x2];
	s13 =	simm.s32 $0x2780;
	s16 =	simm.s32 $0x50  }
0x4: {  	s17 =	simm.s32 $0x6780;
	s18 =	simm.s32 $0x8F80;
	s19 =	simm.s32 $0x1  }
0x5: {  	s20 =	simm.s32 $0x2;
	s21 =	simm.s32 $0x3;
	s22 =	simm.s32 $0x4  }
0x6: {  	s23 =	simm.s32 $0x6480;
	s24 =	simm.s32 $0x6500;
	s25 =	simm.s32 $0x26C0  }
0x7: {  	s28 =	simm.s32 $0x0;
	s5 =	sand.u32 $0x1, s0;
	s29 =	smul.u32 $0x13C00, s26  }
0x8: {  	s9 =	sshll.u32 s26, $0x7;
	s12 =	smul.u32 $0x4F000, s26;
	s14 =	sshll.u32 s26, $0x6  }
0x9: {  	s1 =	sshll.u32 s5, $0x4;
	s9 =	sand.u32 $0x380, s9;
	s10 =	smul.u32 $0x13C000, s5  }
0xa: {  	s30 =	ssub.s32 $0x2, s5;
	s5 =	sadd.s32 $0x2600, s6;
	s14 =	sor.u32 $0x1C05, s14  }
0xb: {  	s8 =	sor.u32 s26, s1;
	s31 =	sshrl.u32 s30, $0x1;
	s12 =	sshrl.u32 s12, $0x2  }
0xc: {  	s26 =	simm.s32 $0x6580;
	s3 =	sshrl.u32 s8, $0x3;
	s8 =	sshll.u32 s8, $0xB  }
0xd: {  	s15 =	sadd.s32 s12, s2;
	s12 =	simm.s32 $0x5;
	s4 =	smul.u32 $0x13C00, s3  }
0xe: {  	s3 =	simm.s32 $0x0;
	s7 =	sadd.s32 s7, s8;
	s15 =	sshrl.u32 s15, $0x3  }
0xf: {  	[smem:$0x7FF] =	sst s3;
	s4 =	sor.u32 s9, s4;
	s9 =	sadd.s32 s29, s10  }
0x10: {  	_ =	strace $0x8000004A;
	s11 =	sshrl.u32 s4, $0x3;
	s9 =	sshrl.u32 s9, $0x3  }
0x11: {  	s10 =	ssub.s32 s30, s31;
	s11 =	sadd.s32 s11, s6;
	s9 =	sadd.s32 s9, s6  }
0x12: {  	s4 =	sadd.s32 $0x20000, s6;
	s6 =	sadd.s32 $0x16200, s11;
	s8 =	sadd.s32 $0x47800, s9  }
0x13: {  	s9 =	smax.u32 s10, $0x1;
	s10 =	simm.s32 $0x80;
	s11 =	simm.s32 $0x400  }
.LBB2_1:
0x14: {  	[tilespmem:s3], [sflag:$0x5] =	stream.strided.gather [hbm4b:s6+s10], $0x2780, s11, s10, $0x38;
	[tilespmem:$0x1F380] =	vst v63  }
0x15: {  	_ =	swait.ge [sflag:s12], $0x2780  }
0x16: {  	[sflag:s12] =	ssyncset.done $0x0  }
0x17: {  	[sflag:s12] =	ssyncadd.s32 $0xFFFFD880  }
0x18: {  	[tilespmem:s13], [sflag:$0x5] =	stream.linear.gather [hbm4b:s7+s3], $0x3E80, $0x38;
	[tilespmem:$0x1F380] =	vst v63  }
0x19: {  	_ =	swait.ge [sflag:s12], $0x3E80  }
0x1a: {  	[sflag:s12] =	ssyncset.done $0x0  }
0x1b: {  	[sflag:s12] =	ssyncadd.s32 $0xFFFFC180  }
0x1c: {  	[spmem:s15], [sflag:s14] =	dma.local [hbm:s5], $0x2780  }
0x1d: {  	_ =	swait.ge [sflag:s12], $0x2780  }
0x1e: {  	[sflag:s12] =	ssyncset.done $0x0  }
0x1f: {  	[sflag:s12] =	ssyncadd.s32 $0xFFFFD880  }
0x20: {  	[bflag:$0x0] =	sbarrier.arrive $0xFFFF  }
0x21: {  	[tilespmem:s17], [sflag:$0x1] =	stream.indirect.gather [hbm4b:s4+s16], $0x80, s3, s16, $0xb8;
	[tilespmem:$0x1F380] =	vst v63  }
0x22: {  	_ = 	snop  }
0x23: {  	[tilespmem:s18], [sflag:$0x2] =	stream.indirect.gather [hbm4b:s4+s16], $0x80, s16, s16, $0xb8;
	[tilespmem:$0x1F380] =	vst v63  }
0x24: {  	_ =	swait.ge [sflag:s19], $0x2800  }
0x25: {  	[sflag:s19] =	ssyncset.done $0x0  }
0x26: {  	s29 =	simm.s32 $0x2780;
	[sflag:s19] =	ssyncadd.s32 $0xFFFFD800  }
0x27: {  	[spmem:s2] =	stream.indirect.scatter.add.f32 [tilespmem:s17], [sflag:$0x3], $0x80, s29, s16, $0xb8;
	[tilespmem:$0x1F380] =	vst v63  }
0x28: {  	_ =	swait.ge [sflag:s20], $0x2800  }
0x29: {  	[sflag:s20] =	ssyncset.done $0x0  }
0x2a: {  	s29 =	simm.s32 $0x2800;
	[sflag:s20] =	ssyncadd.s32 $0xFFFFD800  }
0x2b: {  	[spmem:s2] =	stream.indirect.scatter.add.f32 [tilespmem:s18], [sflag:$0x4], $0x80, s29, s16, $0xb8;
	[tilespmem:$0x1F380] =	vst v63  }
0x2c: {  	_ =	swait.ge [sflag:s21], $0x2800  }
0x2d: {  	[sflag:s21] =	ssyncset.done $0x0  }
0x2e: {  	s29 =	simm.s32 $0xA0;
	[sflag:s21] =	ssyncadd.s32 $0xFFFFD800  }
0x2f: {  	[tilespmem:s17], [sflag:$0x1] =	stream.indirect.gather [hbm4b:s4+s16], $0x80, s29, s16, $0xb8;
	[tilespmem:$0x1F380] =	vst v63  }
0x30: {  	_ =	swait.ge [sflag:s22], $0x2800  }
0x31: {  	s30 =	simm.s32 $0x400;
	[sflag:s22] =	ssyncset.done $0x0  }
0x32: {  	s31 =	simm.s32 $0x190;
	s29 =	simm.s32 $0xF0;
	[sflag:s22] =	ssyncadd.s32 $0xFFFFD800  }
.LBB2_2:
0x33: {  	[tilespmem:s18], [sflag:$0x2] =	stream.indirect.gather [hbm4b:s4+s16], $0x80, s29, s16, $0xb8;
	[tilespmem:$0x1F380] =	vst v63  }
0x34: {  	s1 =	smov.u32 s30;
	s29 =	smov.u32 s31  }
0x35: {  	p0 =	sne.s32 s30, $0xF000;
	s30 =	sadd.s32 $0x400, s30;
	_ =	swait.ge [sflag:s19], $0x2800  }
0x36: {  	s1 =	sshra.s32 s1, $0x2;
	[sflag:s19] =	ssyncset.done $0x0  }
0x37: {  	s0 =	sadd.s32 $0x2780, s1;
	[sflag:s19] =	ssyncadd.s32 $0xFFFFD800  }
0x38: {  	[spmem:s2] =	stream.indirect.scatter.add.f32 [tilespmem:s17], [sflag:$0x3], $0x80, s0, s16, $0xb8;
	[tilespmem:$0x1F380] =	vst v63  }
0x39: {  	_ =	swait.ge [sflag:s20], $0x2800  }
0x3a: {  	[sflag:s20] =	ssyncset.done $0x0  }
0x3b: {  	s0 =	sadd.s32 $0x2800, s1;
	[sflag:s20] =	ssyncadd.s32 $0xFFFFD800  }
0x3c: {  	[spmem:s2] =	stream.indirect.scatter.add.f32 [tilespmem:s18], [sflag:$0x4], $0x80, s0, s16, $0xb8;
	[tilespmem:$0x1F380] =	vst v63  }
0x3d: {  	_ =	swait.ge [sflag:s21], $0x2800  }
0x3e: {  	[sflag:s21] =	ssyncset.done $0x0  }
.Ltmp0:
0x3f: {  	s0 =	sadd.s32 $0xFFFFFFB0, s31;
	[sflag:s21] =	ssyncadd.s32 $0xFFFFD800;
	(pc) =	sbr.rel @p0 .LBB2_2-.Ltmp0, $4  }
0x40: {  	[tilespmem:s17], [sflag:$0x1] =	stream.indirect.gather [hbm4b:s4+s16], $0x80, s0, s16, $0xb8;
	[tilespmem:$0x1F380] =	vst v63  }
0x41: {  	_ =	swait.ge [sflag:s22], $0x2800  }
0x42: {  	[sflag:s22] =	ssyncset.done $0x0  }
0x43: {  	s31 =	sadd.s32 $0xA0, s31;
	[sflag:s22] =	ssyncadd.s32 $0xFFFFD800  }
0x44: {  	[tilespmem:s18], [sflag:$0x2] =	stream.indirect.gather [hbm4b:s4+s16], $0x80, s29, s16, $0xb8;
	[tilespmem:$0x1F380] =	vst v63  }
0x45: {  	_ =	swait.ge [sflag:s19], $0x2800  }
0x46: {  	[sflag:s19] =	ssyncset.done $0x0  }
0x47: {  	[sflag:s19] =	ssyncadd.s32 $0xFFFFD800  }
0x48: {  	[spmem:s2] =	stream.indirect.scatter.add.f32 [tilespmem:s17], [sflag:$0x3], $0x80, s23, s16, $0xb8;
	[tilespmem:$0x1F380] =	vst v63  }
0x49: {  	_ =	swait.ge [sflag:s20], $0x2800  }
0x4a: {  	[sflag:s20] =	ssyncset.done $0x0  }
0x4b: {  	[sflag:s20] =	ssyncadd.s32 $0xFFFFD800  }
0x4c: {  	[spmem:s2] =	stream.indirect.scatter.add.f32 [tilespmem:s18], [sflag:$0x4], $0x80, s24, s16, $0xb8;
	[tilespmem:$0x1F380] =	vst v63  }
0x4d: {  	_ =	swait.ge [sflag:s21], $0x2800  }
0x4e: {  	[sflag:s21] =	ssyncset.done $0x0  }
0x4f: {  	[sflag:s21] =	ssyncadd.s32 $0xFFFFD800  }
0x50: {  	[tilespmem:s17], [sflag:$0x1] =	stream.indirect.gather [hbm4b:s4+s16], $0x80, s25, s16, $0xb8;
	[tilespmem:$0x1F380] =	vst v63  }
0x51: {  	_ =	swait.ge [sflag:s22], $0x2800  }
0x52: {  	[sflag:s22] =	ssyncset.done $0x0  }
0x53: {  	[sflag:s22] =	ssyncadd.s32 $0xFFFFD800  }
0x54: {  	_ =	swait.ge [sflag:s19], $0x2800  }
0x55: {  	[sflag:s19] =	ssyncset.done $0x0  }
0x56: {  	[sflag:s19] =	ssyncadd.s32 $0xFFFFD800  }
0x57: {  	[spmem:s2] =	stream.indirect.scatter.add.f32 [tilespmem:s17], [sflag:$0x3], $0x80, s26, s16, $0xb8;
	[tilespmem:$0x1F380] =	vst v63  }
0x58: {  	_ =	swait.ge [sflag:s21], $0x2800  }
0x59: {  	s28 =	sadd.s32 $0x1, s28;
	[sflag:s21] =	ssyncset.done $0x0  }
0x5a: {  	p0 =	sne.s32 s28, s9;
	[sflag:s21] =	ssyncadd.s32 $0xFFFFD800  }
.Ltmp1:
0x5b: {  	[bflag:$0x0] =	sbarrier.arrive $0xFFFF;
	(pc) =	sbr.rel @p0 .LBB2_1-.Ltmp1, $4  }
0x5c: {  	[hbm:s8], [sflag:s14] =	dma.local [spmem:s15], $0x2780  }
0x5d: {  	_ =	swait.ge [sflag:s12], $0x2780  }
0x5e: {  	[sflag:s12] =	ssyncset.done $0x0  }
0x5f: {  	[sflag:s12] =	ssyncadd.s32 $0xFFFFD880  }
0x60: {  	_ =	sfence.sel $0x180000  }
0x61: {  	[bflag:$0x0] =	sbarrier.arrive $0xFFFF  }
0x62: {  	_ =	strace $0x9000004A  }
0x63: {  	s0 =	stileid.u32;
	[bflag:$0x2] =	sbarrier.arrive $0xFFFF  }
0x64: {  	p0 =	sne.s32 s0, $0x0;
	s0 =	rddreg [dreg:$0x3]  }
0x65: {  	s0 =	sadd.s32 @!p0 $0x100000, s0  }
0x66: {  	[sflag:s0] =	ssyncadd.tile.s32 @!p0 $0x1;
	_ =	shalt  }
.Lfunc_end2:
_tile_overlayer_lowered:
.L_overlay_start_2:
0x67: {  	(tag) =	ssettag $0x2  }
0x68: {  	s0 =	rddreg [dreg:$0x0];
	s2 =	stileid.u32  }
0x69: {  	s1 =	rddreg [dreg:$0x1];
	p0 =	sne.s32 s2, $0x0  }
0x6a: {  	s3 =	rddreg [dreg:$0x2];
	[bflag:$0x3] =	sbarrier.arrive $0xFFFF;
	s2 =	simm.s32 @!p0 $0x1C05  }
0x6b: {  	[timem:s3], [sflag:s2] =	dma.local @!p0 [hbm:s0], s1  }
0x6c: {  	s0 =	simm.s32 @!p0 $0x5  }
0x6d: {  	_ =	swait.ge @!p0 [sflag:s0], s1  }
0x6e: {  	s1 =	ssub.s32 @!p0 $0x0, s1;
	[sflag:s0] =	ssyncset.done @!p0 $0x0  }
0x6f: {  	[sflag:s0] =	ssyncadd.s32 @!p0 s1  }
0x70: {  	[bflag:$0x3] =	sbarrier.arrive $0xFFFF  }
0x71: {  	_ =	shalt  }

// kernel: kernel.14.cloned.1.call-start
scs
__scs_entry_jumppad:
0x0: {  	(pc) =	sbr.rel $0x88, $3  }
0x1: {  	(tag) =	ssettag $0x0;
	lr =	simm.s32 $0x1  }
0x2: {  	[smem:$0x3F9B] =	sst lr;
	_ =	strace $0xD0000000  }
0x3: {  	_ = 	snop  }
0x4: {  	_ = 	snop  }
0x5: {  	_ = 	snop  }
0x6: {  	_ = 	snop  }
0x7: {  	_ = 	snop  }
__scs_overlays_trampoline_lowered:
0x8: {  	[smem:$0x3FAA] =	sst s0  }
0x9: {  	[smem:$0x3FAB] =	sst s1  }
0xa: {  	[smem:$0x3FAC] =	sst s2  }
0xb: {  	[smem:$0x3FAD] =	sst s3  }
0xc: {  	[smem:$0x3FAE] =	sst s4  }
0xd: {  	[smem:$0x3FAF] =	sst s5  }
0xe: {  	[smem:$0x3FB0] =	sst s6  }
0xf: {  	[smem:$0x3FB1] =	sst s7  }
0x10: {  	[smem:$0x3FB2] =	sst s8  }
0x11: {  	[smem:$0x3FB3] =	sst s9;
	s0 =	simm.s32 @!p0 $0x0  }
0x12: {  	s1 =	sld [smem:$0x3F99];
	s0 =	simm.s32 @p0 $0x1  }
0x13: {  	[smem:$0x3FB4] =	sst s0;
	s0 =	simm.s32 @!p1 $0x0  }
0x14: {  	s2 =	sld [smem:$0x3F98];
	s0 =	simm.s32 @p1 $0x1  }
0x15: {  	[smem:$0x3FB5] =	sst s0;
	s0 =	simm.s32 @!p2 $0x0  }
0x16: {  	s3 =	sld [smem:$0x3FDB];
	s0 =	simm.s32 @p2 $0x1  }
0x17: {  	s4 =	simm.s32 $0x1BF5;
	[smem:$0x3FB7] =	sst s0  }
0x18: {  	s0 =	sld [smem:$0x3F9A];
	_ =	swait.ge [sflag:s4], $0x0  }
0x19: {  	s7 =	sld [smem:$0x3F9B]  }
0x1a: {  	s8 =	sadd.s32 $0xFFFFE003, lr  }
0x1b: {  	s9 =	sadd.s32 $0xFFFFFEF7, lr;
	s5 =	simm.s32 $0xFFFFFFFF;
	p2 =	slt.u32 s8, $0xFFFFF086  }
0x1c: {  	p1 =	slt.u32 s9, $0xF7A;
	s5 =	simm.s32 @!p2 $0x0  }
0x1d: {  	s5 =	simm.s32 @p1 $0x1;
	p0 =	seq.s32 s7, s2  }
0x1e: {  	s7 =	smul.u32 @!p0 $0xF7A, s2;
	p2 =	seq.s32 @!p0 s5, $0x0  }
0x1f: {  	s9 =	smul.u32 $0xF7A, s1;
	s8 =	simm.s32 @!p0 $0x1BF5;
	p2 =	por !p2, p0  }
0x20: {  	[sflag:s8] =	ssyncset.s32 @!p0 $0xFFFFF086;
	s6 =	sadd.s32 @!p0 s3, s7;
	s7 =	simm.s32 @!p0 $0x108  }
0x21: {  	s3 =	sadd.s32 s3, s9;
	s6 =	sadd.s32 @!p0 $0x88, s6;
	s7 =	simm.s32 @p2 $0x1082  }
0x22: {  	[simem:s7], [sflag:s8] =	dma.local @!p0 [hbm:s6], $0xF7A  }
0x23: {  	s9 =	sor.u32 $0xD0000000, s2;
	s6 =	simm.s32 $0x108;
	_ =	swait.ge @!p0 [sflag:s8], $0x0  }
0x24: {  	s3 =	sadd.s32 $0x88, s3;
	s6 =	simm.s32 @!p1 $0x1082;
	[sflag:s4] =	ssyncset.s32 $0xFFFFF086  }
0x25: {  	[simem:s6], [sflag:s4] =	dma.local [hbm:s3], $0xF7A  }
0x26: {  	[smem:$0x3F9B] =	sst s1;
	(tag) =	ssettag s2;
	_ =	strace s9  }
0x27: {  	s1 =	sld [smem:$0x3FAB]  }
0x28: {  	s2 =	sld [smem:$0x3FAC]  }
0x29: {  	s4 =	sld [smem:$0x3FAE]  }
0x2a: {  	p0 =	seq.s32 s5, $0x0;
	s5 =	sld [smem:$0x3FAF]  }
0x2b: {  	s6 =	sld [smem:$0x3FB0]  }
0x2c: {  	s7 =	sld [smem:$0x3FB1]  }
0x2d: {  	s3 =	simm.s32 $0x108;
	s8 =	sld [smem:$0x3FB2]  }
0x2e: {  	s3 =	simm.s32 @!p0 $0x1082;
	s9 =	sld [smem:$0x3FB3]  }
0x2f: {  	lr =	sadd.s32 s0, s3;
	s0 =	sld [smem:$0x3FAA]  }
0x30: {  	s3 =	sld [smem:$0x3FAD]  }
0x31: {  	[smem:$0x3FB6] =	sst s10  }
0x32: {  	s10 =	sld [smem:$0x3FB4];
	_ =	sdelay $0x3  }
0x33: {  	p0 =	seq.s32 s10, $0x1;
	s10 =	sld [smem:$0x3FB6];
	_ =	sdelay $0x3  }
0x34: {  	[smem:$0x3FB6] =	sst s10  }
0x35: {  	s10 =	sld [smem:$0x3FB5];
	_ =	sdelay $0x3  }
0x36: {  	p1 =	seq.s32 s10, $0x1;
	s10 =	sld [smem:$0x3FB6];
	_ =	sdelay $0x3  }
0x37: {  	[smem:$0x3FB6] =	sst s10  }
0x38: {  	s10 =	sld [smem:$0x3FB7]  }
0x39: {  	_ = 	snop;
	(pc) =	sbr.ind lr, $3  }
0x3a: {  	_ = 	snop  }
0x3b: {  	_ = 	snop  }
0x3c: {  	p2 =	seq.s32 s10, $0x1;
	s10 =	sld [smem:$0x3FB6]  }
0x3d: {  	_ =	shalt  }
0x3e: {  	_ =	shalt  }
0x3f: {  	_ =	shalt  }
0x40: {  	_ =	shalt  }
0x41: {  	_ =	shalt  }
0x42: {  	_ =	shalt  }
0x43: {  	_ =	shalt  }
0x44: {  	_ =	shalt  }
0x45: {  	_ =	shalt  }
0x46: {  	_ =	shalt  }
0x47: {  	_ =	shalt  }
0x48: {  	_ =	shalt  }
0x49: {  	_ =	shalt  }
0x4a: {  	_ =	shalt  }
0x4b: {  	_ =	shalt  }
0x4c: {  	_ =	shalt  }
0x4d: {  	_ =	shalt  }
0x4e: {  	_ =	shalt  }
0x4f: {  	_ =	shalt  }
0x50: {  	_ =	shalt  }
0x51: {  	_ =	shalt  }
0x52: {  	_ =	shalt  }
0x53: {  	_ =	shalt  }
0x54: {  	_ =	shalt  }
0x55: {  	_ =	shalt  }
0x56: {  	_ =	shalt  }
0x57: {  	_ =	shalt  }
0x58: {  	_ =	shalt  }
0x59: {  	_ =	shalt  }
0x5a: {  	_ =	shalt  }
0x5b: {  	_ =	shalt  }
0x5c: {  	_ =	shalt  }
0x5d: {  	_ =	shalt  }
0x5e: {  	_ =	shalt  }
0x5f: {  	_ =	shalt  }
0x60: {  	_ =	shalt  }
0x61: {  	_ =	shalt  }
0x62: {  	_ =	shalt  }
0x63: {  	_ =	shalt  }
0x64: {  	_ =	shalt  }
0x65: {  	_ =	shalt  }
0x66: {  	_ =	shalt  }
0x67: {  	_ =	shalt  }
0x68: {  	_ =	shalt  }
0x69: {  	_ =	shalt  }
0x6a: {  	_ =	shalt  }
0x6b: {  	_ =	shalt  }
0x6c: {  	_ =	shalt  }
0x6d: {  	_ =	shalt  }
0x6e: {  	_ =	shalt  }
0x6f: {  	_ =	shalt  }
0x70: {  	_ =	shalt  }
0x71: {  	_ =	shalt  }
0x72: {  	_ =	shalt  }
0x73: {  	_ =	shalt  }
0x74: {  	_ =	shalt  }
0x75: {  	_ =	shalt  }
0x76: {  	_ =	shalt  }
0x77: {  	_ =	shalt  }
0x78: {  	_ =	shalt  }
0x79: {  	_ =	shalt  }
0x7a: {  	_ =	shalt  }
0x7b: {  	_ =	shalt  }
0x7c: {  	_ =	shalt  }
0x7d: {  	_ =	shalt  }
0x7e: {  	_ =	shalt  }
0x7f: {  	_ =	shalt  }
0x80: {  	_ =	shalt  }
0x81: {  	_ =	shalt  }
0x82: {  	_ =	shalt  }
0x83: {  	_ =	shalt  }
0x84: {  	_ =	shalt  }
0x85: {  	_ =	shalt  }
0x86: {  	_ =	shalt  }
0x87: {  	_ =	shalt  }
.Lfunc_end0:
.L_simem_size_0:
called_computation.2_lowered:
.L_overlay_start_0:
0x88: {  	s2 =	sld [smem:$0x3FD9]  }
0x89: {  	s3 =	sld [smem:$0x3FFE];
	_ =	sdelay $0x1  }
0x8a: {  	s1 =	srdreg.scid  }
0x8b: {  	s0 =	sand.u32 $0x1, s1  }
0x8c: {  	s17 =	sshll.u32 s0, $0xA;
	s2 =	sadd.s32 s3, s2  }
0x8d: {  	s2 =	sadd.s32 s2, s17  }
0x8e: {  	[smem:$0x3FC2] =	sst s2  }
0x8f: {  	_ = 	snop  }
0x90: {  	s2 =	sld [smem:$0x3FD0];
	(tm) =	ssettm $0x1  }
0x91: {  	s18 =	sld [smem:$0x3FFB];
	_ =	sdelay $0x3  }
0x92: {  	_ =	strace s18  }
0x93: {  	s3 =	sld [smem:$0x3FFC];
	_ =	sdelay $0x3  }
0x94: {  	_ =	strace s3  }
0x95: {  	s3 =	sld [smem:$0x3FFD];
	_ =	sdelay $0x3  }
0x96: {  	_ =	strace s3  }
0x97: {  	_ =	strace $0x8FFFFFFF  }
0x98: {  	s19 =	sld [smem:$0x3FDB];
	_ =	sdelay $0x1  }
0x99: {  	s4 =	simm.s32 $_scs_section_size  }
0x9a: {  	s5 =	simm.s32 $_size__tile_overlayer_lowered;
	s6 =	simm.s32 $_tile_overlayer_lowered  }
0x9b: {  	s22 =	simm.s32 $0x1BFF;
	s21 =	sshll.u32 s6, $0x1;
	s3 =	sadd.s32 s4, s19  }
0x9c: {  	s7 =	simm.s32 $0x0;
	s20 =	sshll.u32 s5, $0x1;
	s5 =	sadd.s32 s21, s3  }
0x9d: {  	[timem:s7], [sflag:s22] =	dma.local [hbm:s5], s20  }
0x9e: {  	_ =	swait.ge [sflag:s22], s20  }
0x9f: {  	s4 =	ssub.s32 $0x0, s20;
	[sflag:s22] =	ssyncset.done $0x0  }
0xa0: {  	[sflag:s22] =	ssyncadd.s32 s4;
	_ =	sdelay $0x1  }
0xa1: {  	s23 =	simm.s32 $0x1B8B  }
0xa2: {  	_ =	swait.ge [sflag:s23], $0x1  }
0xa3: {  	[sflag:s23] =	ssyncset.done $0x0  }
0xa4: {  	s25 =	simm.s32 $0x1B8E;
	s24 =	sld [smem:$0x3FFE];
	[sflag:s23] =	ssyncadd.s32 $0xFFFFFFFF  }
0xa5: {  	s26 =	simm.s32 $execute0_lowered;
	[smem:$0x3FD2] =	sst s25  }
0xa6: {  	s5 =	sshll.u32 s26, $0x1;
	_ =	strace $0x8000004C;
	[dreg:$0x1] =	wrdreg $0xFFFFFFFF  }
0xa7: {  	s28 =	simm.s32 $_size_execute0_lowered;
	s3 =	sadd.s32 s3, s5;
	[dreg:$0x0] =	wrdreg $0x0  }
0xa8: {  	s5 =	sshll.u32 s28, $0x1;
	[dreg:$0x2] =	wrdreg s3  }
0xa9: {  	[dreg:$0x3] =	wrdreg s5  }
0xaa: {  	[dreg:$0x4] =	wrdreg $0xC0  }
0xab: {  	_ =	task [dreg:s7], $0x5FFFF  }
0xac: {  	[dreg:$0x1] =	wrdreg $0xFFFFFFFF  }
0xad: {  	[dreg:$0x0] =	wrdreg $0x60  }
0xae: {  	[dreg:$0x2] =	wrdreg s24  }
0xaf: {  	[dreg:$0x3] =	wrdreg s2  }
0xb0: {  	[dreg:$0x4] =	wrdreg $0xB7800  }
0xb1: {  	[dreg:$0x5] =	wrdreg $0x9  }
0xb2: {  	_ =	task.clear_ibuf [dreg:s7], $0x6FFFF;
	_ =	strace $0x9000004C  }
0xb3: {  	s29 =	simm.s32 $0x9;
	_ =	strace $0x8000004E  }
0xb4: {  	_ =	swait.ge [sflag:s29], $0x1  }
0xb5: {  	[sflag:s29] =	ssyncadd.s32 $0xFFFFFFFF  }
0xb6: {  	_ =	strace $0x9000004E  }
0xb7: {  	_ =	sfence  }
0xb8: {  	s30 =	sld [smem:$0x0];
	_ =	sdelay $0x2  }
0xb9: {  	s31 =	sshll.u32 s1, $0xD;
	s1 =	sshrl.u32 s1, $0x2  }
0xba: {  	s3 =	sand.u32 $0x4000, s31;
	s1 =	sadd.s32 s1, s30  }
0xbb: {  	s0 =	sor.u32 s3, s0;
	s1 =	sshll.u32 s1, $0x11  }
0xbc: {  	s0 =	sor.u32 s1, s0  }
0xbd: {  	s0 =	sadd.s32 $0x8F2B, s0  }
0xbe: {  	[sflag:s0] =	ssyncadd.remote.s32 $0x1  }
0xbf: {  	_ =	sfence.sel $0xFFFF  }
0xc0: {  	[dreg:$0x0] =	wrdreg $0xFFFFFFFF;
	(pc) =	sbr.abs _section_cstart, $3  }
0xc1: {  	[dreg:$0x1] =	wrdreg $0xFFFFFFFF  }
0xc2: {  	_ =	task.clear_ibuf [dreg:s7], $0x2FFFF;
	_ =	strace $0x9FFFFFFF  }
0xc3: {  	(tm) =	ssettm $0x7FFFFFFF  }
tec
execute0_lowered:
.L_overlay_start_1:
0x0: {  	(tag) =	ssettag $0x1  }
0x1: {  	s0 =	srdreg.scid;
	s6 =	rddreg [dreg:$0x0]  }
0x2: {  	s26 =	stileid.u32;
	s7 =	rddreg [dreg:$0x1]  }
0x3: {  	s2 =	rddreg [dreg:$0x2];
	s13 =	simm.s32 $0x2780;
	s16 =	simm.s32 $0x50  }
0x4: {  	s17 =	simm.s32 $0x6780;
	s18 =	simm.s32 $0x8F80;
	s19 =	simm.s32 $0x1  }
0x5: {  	s20 =	simm.s32 $0x2;
	s21 =	simm.s32 $0x3;
	s22 =	simm.s32 $0x4  }
0x6: {  	s23 =	simm.s32 $0x6480;
	s24 =	simm.s32 $0x6500;
	s25 =	simm.s32 $0x26C0  }
0x7: {  	s28 =	simm.s32 $0x0;
	s5 =	sand.u32 $0x1, s0;
	s29 =	smul.u32 $0x13C00, s26  }
0x8: {  	s9 =	sshll.u32 s26, $0x7;
	s12 =	smul.u32 $0x4F000, s26;
	s14 =	sshll.u32 s26, $0x6  }
0x9: {  	s1 =	sshll.u32 s5, $0x4;
	s9 =	sand.u32 $0x380, s9;
	s10 =	smul.u32 $0x13C000, s5  }
0xa: {  	s30 =	ssub.s32 $0x2, s5;
	s5 =	sadd.s32 $0x2600, s6;
	s14 =	sor.u32 $0x1C05, s14  }
0xb: {  	s8 =	sor.u32 s26, s1;
	s31 =	sshrl.u32 s30, $0x1;
	s12 =	sshrl.u32 s12, $0x2  }
0xc: {  	s26 =	simm.s32 $0x6580;
	s3 =	sshrl.u32 s8, $0x3;
	s8 =	sshll.u32 s8, $0xB  }
0xd: {  	s15 =	sadd.s32 s12, s2;
	s12 =	simm.s32 $0x5;
	s4 =	smul.u32 $0x13C00, s3  }
0xe: {  	s3 =	simm.s32 $0x0;
	s7 =	sadd.s32 s7, s8;
	s15 =	sshrl.u32 s15, $0x3  }
0xf: {  	[smem:$0x7FF] =	sst s3;
	s4 =	sor.u32 s9, s4;
	s9 =	sadd.s32 s29, s10  }
0x10: {  	_ =	strace $0x8000004D;
	s11 =	sshrl.u32 s4, $0x3;
	s9 =	sshrl.u32 s9, $0x3  }
0x11: {  	s10 =	ssub.s32 s30, s31;
	s11 =	sadd.s32 s11, s6;
	s9 =	sadd.s32 s9, s6  }
0x12: {  	s4 =	sadd.s32 $0x20000, s6;
	s6 =	sadd.s32 $0x16200, s11;
	s8 =	sadd.s32 $0x47800, s9  }
0x13: {  	s9 =	smax.u32 s10, $0x1;
	s10 =	simm.s32 $0x80;
	s11 =	simm.s32 $0x400  }
.LBB2_1:
0x14: {  	[tilespmem:s3], [sflag:$0x5] =	stream.strided.gather [hbm4b:s6+s10], $0x2780, s11, s10, $0x38;
	[tilespmem:$0x1F380] =	vst v63  }
0x15: {  	_ =	swait.ge [sflag:s12], $0x2780  }
0x16: {  	[sflag:s12] =	ssyncset.done $0x0  }
0x17: {  	[sflag:s12] =	ssyncadd.s32 $0xFFFFD880  }
0x18: {  	[tilespmem:s13], [sflag:$0x5] =	stream.linear.gather [hbm4b:s7+s3], $0x3E80, $0x38;
	[tilespmem:$0x1F380] =	vst v63  }
0x19: {  	_ =	swait.ge [sflag:s12], $0x3E80  }
0x1a: {  	[sflag:s12] =	ssyncset.done $0x0  }
0x1b: {  	[sflag:s12] =	ssyncadd.s32 $0xFFFFC180  }
0x1c: {  	[spmem:s15], [sflag:s14] =	dma.local [hbm:s5], $0x2780  }
0x1d: {  	_ =	swait.ge [sflag:s12], $0x2780  }
0x1e: {  	[sflag:s12] =	ssyncset.done $0x0  }
0x1f: {  	[sflag:s12] =	ssyncadd.s32 $0xFFFFD880  }
0x20: {  	[bflag:$0x0] =	sbarrier.arrive $0xFFFF  }
0x21: {  	[tilespmem:s17], [sflag:$0x1] =	stream.indirect.gather [hbm4b:s4+s16], $0x80, s3, s16, $0xb8;
	[tilespmem:$0x1F380] =	vst v63  }
0x22: {  	_ = 	snop  }
0x23: {  	[tilespmem:s18], [sflag:$0x2] =	stream.indirect.gather [hbm4b:s4+s16], $0x80, s16, s16, $0xb8;
	[tilespmem:$0x1F380] =	vst v63  }
0x24: {  	_ =	swait.ge [sflag:s19], $0x2800  }
0x25: {  	[sflag:s19] =	ssyncset.done $0x0  }
0x26: {  	s29 =	simm.s32 $0x2780;
	[sflag:s19] =	ssyncadd.s32 $0xFFFFD800  }
0x27: {  	[spmem:s2] =	stream.indirect.scatter.add.f32 [tilespmem:s17], [sflag:$0x3], $0x80, s29, s16, $0xb8;
	[tilespmem:$0x1F380] =	vst v63  }
0x28: {  	_ =	swait.ge [sflag:s20], $0x2800  }
0x29: {  	[sflag:s20] =	ssyncset.done $0x0  }
0x2a: {  	s29 =	simm.s32 $0x2800;
	[sflag:s20] =	ssyncadd.s32 $0xFFFFD800  }
0x2b: {  	[spmem:s2] =	stream.indirect.scatter.add.f32 [tilespmem:s18], [sflag:$0x4], $0x80, s29, s16, $0xb8;
	[tilespmem:$0x1F380] =	vst v63  }
0x2c: {  	_ =	swait.ge [sflag:s21], $0x2800  }
0x2d: {  	[sflag:s21] =	ssyncset.done $0x0  }
0x2e: {  	s29 =	simm.s32 $0xA0;
	[sflag:s21] =	ssyncadd.s32 $0xFFFFD800  }
0x2f: {  	[tilespmem:s17], [sflag:$0x1] =	stream.indirect.gather [hbm4b:s4+s16], $0x80, s29, s16, $0xb8;
	[tilespmem:$0x1F380] =	vst v63  }
0x30: {  	_ =	swait.ge [sflag:s22], $0x2800  }
0x31: {  	s30 =	simm.s32 $0x400;
	[sflag:s22] =	ssyncset.done $0x0  }
0x32: {  	s31 =	simm.s32 $0x190;
	s29 =	simm.s32 $0xF0;
	[sflag:s22] =	ssyncadd.s32 $0xFFFFD800  }
.LBB2_2:
0x33: {  	[tilespmem:s18], [sflag:$0x2] =	stream.indirect.gather [hbm4b:s4+s16], $0x80, s29, s16, $0xb8;
	[tilespmem:$0x1F380] =	vst v63  }
0x34: {  	s1 =	smov.u32 s30;
	s29 =	smov.u32 s31  }
0x35: {  	p0 =	sne.s32 s30, $0xF000;
	s30 =	sadd.s32 $0x400, s30;
	_ =	swait.ge [sflag:s19], $0x2800  }
0x36: {  	s1 =	sshra.s32 s1, $0x2;
	[sflag:s19] =	ssyncset.done $0x0  }
0x37: {  	s0 =	sadd.s32 $0x2780, s1;
	[sflag:s19] =	ssyncadd.s32 $0xFFFFD800  }
0x38: {  	[spmem:s2] =	stream.indirect.scatter.add.f32 [tilespmem:s17], [sflag:$0x3], $0x80, s0, s16, $0xb8;
	[tilespmem:$0x1F380] =	vst v63  }
0x39: {  	_ =	swait.ge [sflag:s20], $0x2800  }
0x3a: {  	[sflag:s20] =	ssyncset.done $0x0  }
0x3b: {  	s0 =	sadd.s32 $0x2800, s1;
	[sflag:s20] =	ssyncadd.s32 $0xFFFFD800  }
0x3c: {  	[spmem:s2] =	stream.indirect.scatter.add.f32 [tilespmem:s18], [sflag:$0x4], $0x80, s0, s16, $0xb8;
	[tilespmem:$0x1F380] =	vst v63  }
0x3d: {  	_ =	swait.ge [sflag:s21], $0x2800  }
0x3e: {  	[sflag:s21] =	ssyncset.done $0x0  }
.Ltmp0:
0x3f: {  	s0 =	sadd.s32 $0xFFFFFFB0, s31;
	[sflag:s21] =	ssyncadd.s32 $0xFFFFD800;
	(pc) =	sbr.rel @p0 .LBB2_2-.Ltmp0, $4  }
0x40: {  	[tilespmem:s17], [sflag:$0x1] =	stream.indirect.gather [hbm4b:s4+s16], $0x80, s0, s16, $0xb8;
	[tilespmem:$0x1F380] =	vst v63  }
0x41: {  	_ =	swait.ge [sflag:s22], $0x2800  }
0x42: {  	[sflag:s22] =	ssyncset.done $0x0  }
0x43: {  	s31 =	sadd.s32 $0xA0, s31;
	[sflag:s22] =	ssyncadd.s32 $0xFFFFD800  }
0x44: {  	[tilespmem:s18], [sflag:$0x2] =	stream.indirect.gather [hbm4b:s4+s16], $0x80, s29, s16, $0xb8;
	[tilespmem:$0x1F380] =	vst v63  }
0x45: {  	_ =	swait.ge [sflag:s19], $0x2800  }
0x46: {  	[sflag:s19] =	ssyncset.done $0x0  }
0x47: {  	[sflag:s19] =	ssyncadd.s32 $0xFFFFD800  }
0x48: {  	[spmem:s2] =	stream.indirect.scatter.add.f32 [tilespmem:s17], [sflag:$0x3], $0x80, s23, s16, $0xb8;
	[tilespmem:$0x1F380] =	vst v63  }
0x49: {  	_ =	swait.ge [sflag:s20], $0x2800  }
0x4a: {  	[sflag:s20] =	ssyncset.done $0x0  }
0x4b: {  	[sflag:s20] =	ssyncadd.s32 $0xFFFFD800  }
0x4c: {  	[spmem:s2] =	stream.indirect.scatter.add.f32 [tilespmem:s18], [sflag:$0x4], $0x80, s24, s16, $0xb8;
	[tilespmem:$0x1F380] =	vst v63  }
0x4d: {  	_ =	swait.ge [sflag:s21], $0x2800  }
0x4e: {  	[sflag:s21] =	ssyncset.done $0x0  }
0x4f: {  	[sflag:s21] =	ssyncadd.s32 $0xFFFFD800  }
0x50: {  	[tilespmem:s17], [sflag:$0x1] =	stream.indirect.gather [hbm4b:s4+s16], $0x80, s25, s16, $0xb8;
	[tilespmem:$0x1F380] =	vst v63  }
0x51: {  	_ =	swait.ge [sflag:s22], $0x2800  }
0x52: {  	[sflag:s22] =	ssyncset.done $0x0  }
0x53: {  	[sflag:s22] =	ssyncadd.s32 $0xFFFFD800  }
0x54: {  	_ =	swait.ge [sflag:s19], $0x2800  }
0x55: {  	[sflag:s19] =	ssyncset.done $0x0  }
0x56: {  	[sflag:s19] =	ssyncadd.s32 $0xFFFFD800  }
0x57: {  	[spmem:s2] =	stream.indirect.scatter.add.f32 [tilespmem:s17], [sflag:$0x3], $0x80, s26, s16, $0xb8;
	[tilespmem:$0x1F380] =	vst v63  }
0x58: {  	_ =	swait.ge [sflag:s21], $0x2800  }
0x59: {  	s28 =	sadd.s32 $0x1, s28;
	[sflag:s21] =	ssyncset.done $0x0  }
0x5a: {  	p0 =	sne.s32 s28, s9;
	[sflag:s21] =	ssyncadd.s32 $0xFFFFD800  }
.Ltmp1:
0x5b: {  	[bflag:$0x0] =	sbarrier.arrive $0xFFFF;
	(pc) =	sbr.rel @p0 .LBB2_1-.Ltmp1, $4  }
0x5c: {  	[hbm:s8], [sflag:s14] =	dma.local [spmem:s15], $0x2780  }
0x5d: {  	_ =	swait.ge [sflag:s12], $0x2780  }
0x5e: {  	[sflag:s12] =	ssyncset.done $0x0  }
0x5f: {  	[sflag:s12] =	ssyncadd.s32 $0xFFFFD880  }
0x60: {  	_ =	sfence.sel $0x180000  }
0x61: {  	[bflag:$0x0] =	sbarrier.arrive $0xFFFF  }
0x62: {  	_ =	strace $0x9000004D  }
0x63: {  	s0 =	stileid.u32;
	[bflag:$0x2] =	sbarrier.arrive $0xFFFF  }
0x64: {  	p0 =	sne.s32 s0, $0x0;
	s0 =	rddreg [dreg:$0x3]  }
0x65: {  	s0 =	sadd.s32 @!p0 $0x100000, s0  }
0x66: {  	[sflag:s0] =	ssyncadd.tile.s32 @!p0 $0x1;
	_ =	shalt  }
.Lfunc_end2:
_tile_overlayer_lowered:
.L_overlay_start_2:
0x67: {  	(tag) =	ssettag $0x2  }
0x68: {  	s0 =	rddreg [dreg:$0x0];
	s2 =	stileid.u32  }
0x69: {  	s1 =	rddreg [dreg:$0x1];
	p0 =	sne.s32 s2, $0x0  }
0x6a: {  	s3 =	rddreg [dreg:$0x2];
	[bflag:$0x3] =	sbarrier.arrive $0xFFFF;
	s2 =	simm.s32 @!p0 $0x1C05  }
0x6b: {  	[timem:s3], [sflag:s2] =	dma.local @!p0 [hbm:s0], s1  }
0x6c: {  	s0 =	simm.s32 @!p0 $0x5  }
0x6d: {  	_ =	swait.ge @!p0 [sflag:s0], s1  }
0x6e: {  	s1 =	ssub.s32 @!p0 $0x0, s1;
	[sflag:s0] =	ssyncset.done @!p0 $0x0  }
0x6f: {  	[sflag:s0] =	ssyncadd.s32 @!p0 s1  }
0x70: {  	[bflag:$0x3] =	sbarrier.arrive $0xFFFF  }
0x71: {  	_ =	shalt  }

// kernel: kernel.8.cloned.1.call-start
scs
__scs_entry_jumppad:
0x0: {  	(pc) =	sbr.rel $0x88, $3  }
0x1: {  	(tag) =	ssettag $0x0;
	lr =	simm.s32 $0x1  }
0x2: {  	[smem:$0x3F9B] =	sst lr;
	_ =	strace $0xD0000000  }
0x3: {  	_ = 	snop  }
0x4: {  	_ = 	snop  }
0x5: {  	_ = 	snop  }
0x6: {  	_ = 	snop  }
0x7: {  	_ = 	snop  }
__scs_overlays_trampoline_lowered:
0x8: {  	[smem:$0x3FAA] =	sst s0  }
0x9: {  	[smem:$0x3FAB] =	sst s1  }
0xa: {  	[smem:$0x3FAC] =	sst s2  }
0xb: {  	[smem:$0x3FAD] =	sst s3  }
0xc: {  	[smem:$0x3FAE] =	sst s4  }
0xd: {  	[smem:$0x3FAF] =	sst s5  }
0xe: {  	[smem:$0x3FB0] =	sst s6  }
0xf: {  	[smem:$0x3FB1] =	sst s7  }
0x10: {  	[smem:$0x3FB2] =	sst s8  }
0x11: {  	[smem:$0x3FB3] =	sst s9;
	s0 =	simm.s32 @!p0 $0x0  }
0x12: {  	s1 =	sld [smem:$0x3F99];
	s0 =	simm.s32 @p0 $0x1  }
0x13: {  	[smem:$0x3FB4] =	sst s0;
	s0 =	simm.s32 @!p1 $0x0  }
0x14: {  	s2 =	sld [smem:$0x3F98];
	s0 =	simm.s32 @p1 $0x1  }
0x15: {  	[smem:$0x3FB5] =	sst s0;
	s0 =	simm.s32 @!p2 $0x0  }
0x16: {  	s3 =	sld [smem:$0x3FDB];
	s0 =	simm.s32 @p2 $0x1  }
0x17: {  	s4 =	simm.s32 $0x1BF5;
	[smem:$0x3FB7] =	sst s0  }
0x18: {  	s0 =	sld [smem:$0x3F9A];
	_ =	swait.ge [sflag:s4], $0x0  }
0x19: {  	s7 =	sld [smem:$0x3F9B]  }
0x1a: {  	s8 =	sadd.s32 $0xFFFFE003, lr  }
0x1b: {  	s9 =	sadd.s32 $0xFFFFFEF7, lr;
	s5 =	simm.s32 $0xFFFFFFFF;
	p2 =	slt.u32 s8, $0xFFFFF086  }
0x1c: {  	p1 =	slt.u32 s9, $0xF7A;
	s5 =	simm.s32 @!p2 $0x0  }
0x1d: {  	s5 =	simm.s32 @p1 $0x1;
	p0 =	seq.s32 s7, s2  }
0x1e: {  	s7 =	smul.u32 @!p0 $0xF7A, s2;
	p2 =	seq.s32 @!p0 s5, $0x0  }
0x1f: {  	s9 =	smul.u32 $0xF7A, s1;
	s8 =	simm.s32 @!p0 $0x1BF5;
	p2 =	por !p2, p0  }
0x20: {  	[sflag:s8] =	ssyncset.s32 @!p0 $0xFFFFF086;
	s6 =	sadd.s32 @!p0 s3, s7;
	s7 =	simm.s32 @!p0 $0x108  }
0x21: {  	s3 =	sadd.s32 s3, s9;
	s6 =	sadd.s32 @!p0 $0x88, s6;
	s7 =	simm.s32 @p2 $0x1082  }
0x22: {  	[simem:s7], [sflag:s8] =	dma.local @!p0 [hbm:s6], $0xF7A  }
0x23: {  	s9 =	sor.u32 $0xD0000000, s2;
	s6 =	simm.s32 $0x108;
	_ =	swait.ge @!p0 [sflag:s8], $0x0  }
0x24: {  	s3 =	sadd.s32 $0x88, s3;
	s6 =	simm.s32 @!p1 $0x1082;
	[sflag:s4] =	ssyncset.s32 $0xFFFFF086  }
0x25: {  	[simem:s6], [sflag:s4] =	dma.local [hbm:s3], $0xF7A  }
0x26: {  	[smem:$0x3F9B] =	sst s1;
	(tag) =	ssettag s2;
	_ =	strace s9  }
0x27: {  	s1 =	sld [smem:$0x3FAB]  }
0x28: {  	s2 =	sld [smem:$0x3FAC]  }
0x29: {  	s4 =	sld [smem:$0x3FAE]  }
0x2a: {  	p0 =	seq.s32 s5, $0x0;
	s5 =	sld [smem:$0x3FAF]  }
0x2b: {  	s6 =	sld [smem:$0x3FB0]  }
0x2c: {  	s7 =	sld [smem:$0x3FB1]  }
0x2d: {  	s3 =	simm.s32 $0x108;
	s8 =	sld [smem:$0x3FB2]  }
0x2e: {  	s3 =	simm.s32 @!p0 $0x1082;
	s9 =	sld [smem:$0x3FB3]  }
0x2f: {  	lr =	sadd.s32 s0, s3;
	s0 =	sld [smem:$0x3FAA]  }
0x30: {  	s3 =	sld [smem:$0x3FAD]  }
0x31: {  	[smem:$0x3FB6] =	sst s10  }
0x32: {  	s10 =	sld [smem:$0x3FB4];
	_ =	sdelay $0x3  }
0x33: {  	p0 =	seq.s32 s10, $0x1;
	s10 =	sld [smem:$0x3FB6];
	_ =	sdelay $0x3  }
0x34: {  	[smem:$0x3FB6] =	sst s10  }
0x35: {  	s10 =	sld [smem:$0x3FB5];
	_ =	sdelay $0x3  }
0x36: {  	p1 =	seq.s32 s10, $0x1;
	s10 =	sld [smem:$0x3FB6];
	_ =	sdelay $0x3  }
0x37: {  	[smem:$0x3FB6] =	sst s10  }
0x38: {  	s10 =	sld [smem:$0x3FB7]  }
0x39: {  	_ = 	snop;
	(pc) =	sbr.ind lr, $3  }
0x3a: {  	_ = 	snop  }
0x3b: {  	_ = 	snop  }
0x3c: {  	p2 =	seq.s32 s10, $0x1;
	s10 =	sld [smem:$0x3FB6]  }
0x3d: {  	_ =	shalt  }
0x3e: {  	_ =	shalt  }
0x3f: {  	_ =	shalt  }
0x40: {  	_ =	shalt  }
0x41: {  	_ =	shalt  }
0x42: {  	_ =	shalt  }
0x43: {  	_ =	shalt  }
0x44: {  	_ =	shalt  }
0x45: {  	_ =	shalt  }
0x46: {  	_ =	shalt  }
0x47: {  	_ =	shalt  }
0x48: {  	_ =	shalt  }
0x49: {  	_ =	shalt  }
0x4a: {  	_ =	shalt  }
0x4b: {  	_ =	shalt  }
0x4c: {  	_ =	shalt  }
0x4d: {  	_ =	shalt  }
0x4e: {  	_ =	shalt  }
0x4f: {  	_ =	shalt  }
0x50: {  	_ =	shalt  }
0x51: {  	_ =	shalt  }
0x52: {  	_ =	shalt  }
0x53: {  	_ =	shalt  }
0x54: {  	_ =	shalt  }
0x55: {  	_ =	shalt  }
0x56: {  	_ =	shalt  }
0x57: {  	_ =	shalt  }
0x58: {  	_ =	shalt  }
0x59: {  	_ =	shalt  }
0x5a: {  	_ =	shalt  }
0x5b: {  	_ =	shalt  }
0x5c: {  	_ =	shalt  }
0x5d: {  	_ =	shalt  }
0x5e: {  	_ =	shalt  }
0x5f: {  	_ =	shalt  }
0x60: {  	_ =	shalt  }
0x61: {  	_ =	shalt  }
0x62: {  	_ =	shalt  }
0x63: {  	_ =	shalt  }
0x64: {  	_ =	shalt  }
0x65: {  	_ =	shalt  }
0x66: {  	_ =	shalt  }
0x67: {  	_ =	shalt  }
0x68: {  	_ =	shalt  }
0x69: {  	_ =	shalt  }
0x6a: {  	_ =	shalt  }
0x6b: {  	_ =	shalt  }
0x6c: {  	_ =	shalt  }
0x6d: {  	_ =	shalt  }
0x6e: {  	_ =	shalt  }
0x6f: {  	_ =	shalt  }
0x70: {  	_ =	shalt  }
0x71: {  	_ =	shalt  }
0x72: {  	_ =	shalt  }
0x73: {  	_ =	shalt  }
0x74: {  	_ =	shalt  }
0x75: {  	_ =	shalt  }
0x76: {  	_ =	shalt  }
0x77: {  	_ =	shalt  }
0x78: {  	_ =	shalt  }
0x79: {  	_ =	shalt  }
0x7a: {  	_ =	shalt  }
0x7b: {  	_ =	shalt  }
0x7c: {  	_ =	shalt  }
0x7d: {  	_ =	shalt  }
0x7e: {  	_ =	shalt  }
0x7f: {  	_ =	shalt  }
0x80: {  	_ =	shalt  }
0x81: {  	_ =	shalt  }
0x82: {  	_ =	shalt  }
0x83: {  	_ =	shalt  }
0x84: {  	_ =	shalt  }
0x85: {  	_ =	shalt  }
0x86: {  	_ =	shalt  }
0x87: {  	_ =	shalt  }
.Lfunc_end0:
.L_simem_size_0:
called_computation_lowered:
.L_overlay_start_0:
0x88: {  	s2 =	sld [smem:$0x3FD9]  }
0x89: {  	s3 =	sld [smem:$0x3FFE];
	_ =	sdelay $0x1  }
0x8a: {  	s1 =	srdreg.scid  }
0x8b: {  	s0 =	sand.u32 $0x1, s1  }
0x8c: {  	s16 =	sshll.u32 s0, $0xA;
	s2 =	sadd.s32 s3, s2  }
0x8d: {  	s2 =	sadd.s32 s2, s16  }
0x8e: {  	[smem:$0x3FC2] =	sst s2  }
0x8f: {  	_ = 	snop  }
0x90: {  	(tm) =	ssettm $0x1  }
0x91: {  	s17 =	sld [smem:$0x3FFB];
	_ =	sdelay $0x3  }
0x92: {  	_ =	strace s17  }
0x93: {  	s2 =	sld [smem:$0x3FFC];
	_ =	sdelay $0x3  }
0x94: {  	_ =	strace s2  }
0x95: {  	s2 =	sld [smem:$0x3FFD];
	_ =	sdelay $0x3  }
0x96: {  	_ =	strace s2  }
0x97: {  	_ =	strace $0x8FFFFFFF  }
0x98: {  	s18 =	sld [smem:$0x3FDB];
	_ =	sdelay $0x1  }
0x99: {  	s19 =	simm.s32 $_scs_section_size  }
0x9a: {  	s4 =	simm.s32 $_size__tile_overlayer_lowered;
	s5 =	simm.s32 $_tile_overlayer_lowered  }
0x9b: {  	s22 =	simm.s32 $0x1BFF;
	s21 =	sshll.u32 s5, $0x1;
	s2 =	sadd.s32 s19, s18  }
0x9c: {  	s6 =	simm.s32 $0x0;
	s20 =	sshll.u32 s4, $0x1;
	s4 =	sadd.s32 s21, s2  }
0x9d: {  	[timem:s6], [sflag:s22] =	dma.local [hbm:s4], s20  }
0x9e: {  	_ =	swait.ge [sflag:s22], s20  }
0x9f: {  	s3 =	ssub.s32 $0x0, s20;
	[sflag:s22] =	ssyncset.done $0x0  }
0xa0: {  	[sflag:s22] =	ssyncadd.s32 s3;
	_ =	sdelay $0x1  }
0xa1: {  	s23 =	simm.s32 $0x1B8B  }
0xa2: {  	_ =	swait.ge [sflag:s23], $0x1  }
0xa3: {  	[sflag:s23] =	ssyncset.done $0x0  }
0xa4: {  	s25 =	simm.s32 $0x1B8E;
	s24 =	sld [smem:$0x3FFE];
	[sflag:s23] =	ssyncadd.s32 $0xFFFFFFFF  }
0xa5: {  	s26 =	simm.s32 $execute0_lowered;
	[smem:$0x3FD2] =	sst s25  }
0xa6: {  	s4 =	sshll.u32 s26, $0x1;
	_ =	strace $0x80000046;
	[dreg:$0x1] =	wrdreg $0xFFFFFFFF  }
0xa7: {  	s28 =	simm.s32 $_size_execute0_lowered;
	s2 =	sadd.s32 s2, s4;
	[dreg:$0x0] =	wrdreg $0x0  }
0xa8: {  	s4 =	sshll.u32 s28, $0x1;
	[dreg:$0x2] =	wrdreg s2  }
0xa9: {  	[dreg:$0x3] =	wrdreg s4  }
0xaa: {  	[dreg:$0x4] =	wrdreg $0xC0  }
0xab: {  	_ =	task [dreg:s6], $0x5FFFF  }
0xac: {  	[dreg:$0x1] =	wrdreg $0xFFFFFFFF  }
0xad: {  	[dreg:$0x0] =	wrdreg $0x60  }
0xae: {  	[dreg:$0x2] =	wrdreg s24  }
0xaf: {  	[dreg:$0x3] =	wrdreg $0x9  }
0xb0: {  	_ =	task.clear_ibuf [dreg:s6], $0x4FFFF;
	_ =	strace $0x90000046  }
0xb1: {  	s29 =	simm.s32 $0x9;
	_ =	strace $0x80000048  }
0xb2: {  	_ =	swait.ge [sflag:s29], $0x1  }
0xb3: {  	[sflag:s29] =	ssyncadd.s32 $0xFFFFFFFF  }
0xb4: {  	_ =	strace $0x90000048  }
0xb5: {  	_ =	sfence  }
0xb6: {  	s30 =	sld [smem:$0x0];
	_ =	sdelay $0x2  }
0xb7: {  	s31 =	sshll.u32 s1, $0xD;
	s1 =	sshrl.u32 s1, $0x2  }
0xb8: {  	s3 =	sand.u32 $0x4000, s31;
	s1 =	sadd.s32 s1, s30  }
0xb9: {  	s0 =	sor.u32 s3, s0;
	s1 =	sshll.u32 s1, $0x11  }
0xba: {  	s0 =	sor.u32 s1, s0  }
0xbb: {  	s0 =	sadd.s32 $0x8F2B, s0  }
0xbc: {  	[sflag:s0] =	ssyncadd.remote.s32 $0x1  }
0xbd: {  	_ =	sfence.sel $0xFFFF  }
0xbe: {  	[dreg:$0x0] =	wrdreg $0xFFFFFFFF;
	(pc) =	sbr.abs _section_cstart, $3  }
0xbf: {  	[dreg:$0x1] =	wrdreg $0xFFFFFFFF  }
0xc0: {  	_ =	task.clear_ibuf [dreg:s6], $0x2FFFF;
	_ =	strace $0x9FFFFFFF  }
0xc1: {  	(tm) =	ssettm $0x7FFFFFFF  }
tec
execute0_lowered:
.L_overlay_start_1:
0x0: {  	(tag) =	ssettag $0x1  }
0x1: {  	s0 =	srdreg.scid  }
0x2: {  	s3 =	sand.u32 $0x1, s0  }
0x3: {  	s0 =	stileid.u32;
	s1 =	sshll.u32 s3, $0x4  }
0x4: {  	s5 =	rddreg [dreg:$0x0];
	s2 =	simm.s32 $0x0;
	s1 =	sor.u32 s0, s1  }
0x5: {  	s7 =	simm.s32 $0x400;
	s8 =	simm.s32 $0x1;
	s1 =	sshrl.u32 s1, $0x3  }
0x6: {  	s9 =	simm.s32 $0x2780;
	s30 =	sshll.u32 s0, $0x7;
	s4 =	smul.u32 $0x13C00, s1  }
0x7: {  	s10 =	simm.s32 $0x0;
	s3 =	ssub.s32 $0x2, s3;
	s6 =	sand.u32 $0x380, s30  }
0x8: {  	[smem:$0x7FF] =	sst s2;
	s31 =	sshrl.u32 s3, $0x1;
	s4 =	sor.u32 s6, s4  }
0x9: {  	s1 =	rddreg [dreg:$0x1];
	_ =	strace $0x80000047;
	s4 =	sshrl.u32 s4, $0x3  }
0xa: {  	s6 =	simm.s32 $0x80;
	s4 =	sadd.s32 s4, s5;
	s5 =	ssub.s32 s3, s31  }
0xb: {  	v0 =	vimm.f32 $0.0e+00;
	v1 =	vimm.f32 $1.000000000e+00;
	s3 =	sadd.s32 $0x2600, s4;
	s4 =	sadd.s32 $0xC400, s4;
	s5 =	smax.u32 s5, $0x1  }
.LBB2_1:
0xc: {  	[tilespmem:s2], [sflag:$0x1] =	stream.strided.gather [hbm4b:s3+s6], $0x2780, s7, s6, $0x38;
	[tilespmem:$0x4F00] =	vst v63  }
0xd: {  	_ =	swait.ge [sflag:s8], $0x2780  }
0xe: {  	[sflag:s8] =	ssyncset.done $0x0  }
0xf: {  	s11 =	simm.s32 $0x0;
	[sflag:s8] =	ssyncadd.s32 $0xFFFFD880  }
.LBB2_2:
0x10: {  	p0 =	sne.s32 s11, $0x9DC0  }
.Ltmp0:
0x11: {  	_ = 	snop;
	(pc) =	sbr.rel @p0 .LBB2_2-.Ltmp0, $3  }
0x12: {  	_ =	sdelay $0x1  }
0x13: {  	s12 =	sshra.s32 s11, $0x2  }
0x14: {  	s11 =	sadd.s32 $0x40, s11;
	[tilespmem:s12+$0x2780] =	vst v0  }
0x15: {  	s12 =	simm.s32 $0x0;
	s11 =	simm.s32 $0x40  }
.LBB2_4:
0x16: {  	p0 =	sne.s32 s11, $0x9C00;
	v2 =	vld [tilespmem:s12+$0x0];
	_ =	sdelay $0x3  }
.Ltmp1:
0x17: {  	(pc) =	sbr.rel @p0 .LBB2_4-.Ltmp1, $2  }
0x18: {  	_ =	sdelay $0x2  }
0x19: {  	s12 =	sshra.s32 s11, $0x2;
	s11 =	sadd.s32 $0x40, s11;
	[tilespmem:v2+s9+$0x0] =	vst.idx.add.f32.msk $0xffff, v1  }
0x1a: {  	v2 =	vld [tilespmem:s12+$0x0];
	_ =	sdelay $0x5  }
0x1b: {  	s10 =	sadd.s32 $0x1, s10  }
0x1c: {  	p0 =	sne.s32 s10, s5  }
.Ltmp2:
0x1d: {  	[tilespmem:v2+s9+$0x0] =	vst.idx.add.f32.msk $0xffff, v1;
	(pc) =	sbr.rel @p0 .LBB2_1-.Ltmp2, $4  }
0x1e: {  	[hbm4b:s4+s6] =	stream.strided.scatter [tilespmem:s9], [sflag:$0x1], $0x2780, s7, s6, $0x38;
	[tilespmem:$0x4F00] =	vst v63  }
0x1f: {  	_ =	swait.ge [sflag:s8], $0x2780  }
0x20: {  	[sflag:s8] =	ssyncset.done $0x0  }
0x21: {  	[sflag:s8] =	ssyncadd.s32 $0xFFFFD880  }
0x22: {  	_ =	sfence.sel $0x180000  }
0x23: {  	[bflag:$0x0] =	sbarrier.arrive $0xFFFF  }
0x24: {  	p0 =	sne.s32 s0, $0x0;
	_ =	strace $0x90000047  }
0x25: {  	s0 =	sadd.s32 @!p0 $0x100000, s1;
	[bflag:$0x2] =	sbarrier.arrive $0xFFFF  }
0x26: {  	[sflag:s0] =	ssyncadd.tile.s32 @!p0 $0x1;
	_ =	shalt  }
.Lfunc_end2:
_tile_overlayer_lowered:
.L_overlay_start_2:
0x27: {  	(tag) =	ssettag $0x2  }
0x28: {  	s0 =	rddreg [dreg:$0x0];
	s2 =	stileid.u32  }
0x29: {  	s1 =	rddreg [dreg:$0x1];
	p0 =	sne.s32 s2, $0x0  }
0x2a: {  	s3 =	rddreg [dreg:$0x2];
	[bflag:$0x3] =	sbarrier.arrive $0xFFFF;
	s2 =	simm.s32 @!p0 $0x1C01  }
0x2b: {  	[timem:s3], [sflag:s2] =	dma.local @!p0 [hbm:s0], s1  }
0x2c: {  	s0 =	simm.s32 @!p0 $0x1  }
0x2d: {  	_ =	swait.ge @!p0 [sflag:s0], s1  }
0x2e: {  	s1 =	ssub.s32 @!p0 $0x0, s1;
	[sflag:s0] =	ssyncset.done @!p0 $0x0  }
0x2f: {  	[sflag:s0] =	ssyncadd.s32 @!p0 s1  }
0x30: {  	[bflag:$0x3] =	sbarrier.arrive $0xFFFF  }
0x31: {  	_ =	shalt  }

</sc_bundles>
